<compile_context>
chip_gen: v7x
topology: tpu7x:2x2x1
jax: 0.10.2.dev20260603
libtpu: 0.0.44.dev20260713+nightly
codegen_flags: <defaults>
</compile_context>

<pallas_src>
import functools

import jax
import jax.numpy as jnp
from jax.experimental import pallas as pl
from jax.experimental.pallas import tpu as pltpu
from jax.experimental.pallas import tpu_sc as plsc

E = 64
D = 768
H = 768
O = 768
B = 4096
CAP = 128
EPAD = 2
BT = 1024
NB = B // BT
XROWS = (E + EPAD) * CAP
DP = D // 2
NC = 2
NS = 16
NW = NC * NS
TPW = B // NW


def _router_body(x_ref, gw_ref, gb_ref, eb_ref, slot_ref, xp_ref, counts_ref,
                 tri_ref):
    step = pl.program_id(0)

    @pl.when(step == 0)
    def _():
        counts_ref[...] = jnp.zeros_like(counts_ref)
        r = jax.lax.broadcasted_iota(jnp.int32, (BT, BT), 0)
        c = jax.lax.broadcasted_iota(jnp.int32, (BT, BT), 1)
        tri_ref[...] = (r >= c).astype(jnp.bfloat16)

    xf = x_ref[...]
    xb = xf.astype(jnp.bfloat16)
    lo = jax.lax.bitcast_convert_type(xb[:, :DP], jnp.uint16)
    hi = jax.lax.bitcast_convert_type(xb[:, DP:], jnp.uint16)
    xp_ref[...] = (lo.astype(jnp.uint32)
                   | (hi.astype(jnp.uint32) << 16)).astype(jnp.int32)
    scores = jnp.dot(xf, gw_ref[...], preferred_element_type=jnp.float32)
    scores = scores + gb_ref[...] + eb_ref[...]
    lane = jax.lax.broadcasted_iota(jnp.int32, (BT, E), 1).astype(jnp.float32)
    m = jnp.max(scores, axis=1, keepdims=True)
    eid = jnp.min(jnp.where(scores == m, lane, float(E)), axis=1,
                  keepdims=True)
    oh = lane == eid
    incl = jnp.dot(tri_ref[...], oh.astype(jnp.bfloat16),
                   preferred_element_type=jnp.float32)
    tot = incl + counts_ref[...]
    pos = jnp.sum(jnp.where(oh, tot, 0.0), axis=1, keepdims=True) - 1.0
    slot = jnp.where(pos < CAP, eid * CAP + pos, float(E * CAP))
    slot_ref[...] = slot.astype(jnp.int32)
    counts_ref[...] = tot[BT - 1:BT, :]


def _router(x, gate_W, gb2, eb2, interpret=False):
    return pl.pallas_call(
        _router_body,
        grid=(NB,),
        in_specs=[
            pl.BlockSpec((BT, D), lambda i: (i, 0)),
            pl.BlockSpec((D, E), lambda i: (0, 0)),
            pl.BlockSpec((1, E), lambda i: (0, 0)),
            pl.BlockSpec((1, E), lambda i: (0, 0)),
        ],
        out_specs=[
            pl.BlockSpec((BT, 1), lambda i: (i, 0)),
            pl.BlockSpec((BT, DP), lambda i: (i, 0)),
        ],
        out_shape=[
            jax.ShapeDtypeStruct((B, 1), jnp.int32),
            jax.ShapeDtypeStruct((B, DP), jnp.int32),
        ],
        scratch_shapes=[pltpu.VMEM((1, E), jnp.float32),
                        pltpu.VMEM((BT, BT), jnp.bfloat16)],
        interpret=interpret,
    )(x, gate_W, gb2, eb2)


EP = 2


def _mlp_body(xe_ref, w1_ref, b1_ref, w2_ref, b2_ref, ye_ref):
    g = pl.program_id(0)

    @pl.when(g < E // EP)
    def _():
        for u in range(EP):
            ec = jnp.minimum(g * EP + u, E - 1)
            xpk = xe_ref[pl.ds(u * CAP, CAP), :].astype(jnp.uint32)
            lo = jax.lax.bitcast_convert_type(
                (xpk & 0xFFFF).astype(jnp.uint16), jnp.bfloat16)
            hi = jax.lax.bitcast_convert_type(
                (xpk >> 16).astype(jnp.uint16), jnp.bfloat16)
            xb = jnp.concatenate([lo, hi], axis=1)
            w1 = w1_ref[u].astype(jnp.bfloat16)
            b1v = b1_ref[pl.ds(ec, 1), :]
            h = jnp.dot(xb, w1, preferred_element_type=jnp.float32)
            h = jnp.maximum(h + b1v, 0.0)
            w2 = w2_ref[u].astype(jnp.bfloat16)
            b2v = b2_ref[pl.ds(ec, 1), :]
            y = jnp.dot(h.astype(jnp.bfloat16), w2,
                        preferred_element_type=jnp.float32)
            ye_ref[pl.ds(u * CAP, CAP), :] = y + b2v

    @pl.when(g == E // EP)
    def _():
        ye_ref[...] = jnp.zeros_like(ye_ref)


def _mlp(xep, W1, b1, W2, b2, interpret=False):
    nw = E // EP - 1
    return pl.pallas_call(
        _mlp_body,
        grid=(E // EP + 1,),
        in_specs=[
            pl.BlockSpec((EP * CAP, DP), lambda g: (g, 0)),
            pl.BlockSpec((EP, D, H), lambda g: (jnp.minimum(g, nw), 0, 0)),
            pl.BlockSpec((E, H), lambda g: (0, 0)),
            pl.BlockSpec((EP, H, O), lambda g: (jnp.minimum(g, nw), 0, 0)),
            pl.BlockSpec((E, O), lambda g: (0, 0)),
        ],
        out_specs=pl.BlockSpec((EP * CAP, O), lambda g: (g, 0)),
        out_shape=jax.ShapeDtypeStruct((XROWS, O), jnp.float32),
        compiler_params=pltpu.CompilerParams(
            dimension_semantics=("arbitrary",)),
        interpret=interpret,
    )(xep, W1, b1, W2, b2)


def _dispatch(xp, slots2):
    mesh = plsc.VectorSubcoreMesh(core_axis_name="c", subcore_axis_name="s")

    @functools.partial(
        pl.kernel,
        out_type=jax.ShapeDtypeStruct((XROWS, DP), jnp.int32),
        mesh=mesh,
        scratch_types=[
            pltpu.VMEM((1, TPW), jnp.int32),
            pltpu.VMEM((TPW, DP), jnp.int32),
            pltpu.SemaphoreType.DMA,
        ],
    )
    def k(x_hbm, slot_hbm, xe_hbm, idx_v, rows_v, sem):
        wid = jax.lax.axis_index("s") * NC + jax.lax.axis_index("c")
        pltpu.sync_copy(slot_hbm.at[pl.ds(wid, 1)], idx_v)
        pltpu.sync_copy(x_hbm.at[pl.ds(wid * TPW, TPW)], rows_v)
        pltpu.async_copy(rows_v, xe_hbm.at[idx_v.at[0]], sem).wait()

    return k(xp, slots2)


HPW = TPW // 2


def _combine(ye, slots2):
    mesh = plsc.VectorSubcoreMesh(core_axis_name="c", subcore_axis_name="s")

    @functools.partial(
        pl.kernel,
        out_type=jax.ShapeDtypeStruct((B, O), jnp.float32),
        mesh=mesh,
        scratch_types=[
            pltpu.VMEM((1, TPW), jnp.int32),
            pltpu.VMEM((HPW, O), jnp.float32),
            pltpu.VMEM((HPW, O), jnp.float32),
            pltpu.SemaphoreType.DMA,
            pltpu.SemaphoreType.DMA,
            pltpu.SemaphoreType.DMA,
            pltpu.SemaphoreType.DMA,
        ],
    )
    def k(ye_hbm, slot_hbm, out_hbm, idx_v, rows0, rows1, s0, s1, s2, s3):
        wid = jax.lax.axis_index("s") * NC + jax.lax.axis_index("c")
        base = wid * TPW
        pltpu.sync_copy(slot_hbm.at[pl.ds(wid, 1)], idx_v)
        g0 = pltpu.async_copy(ye_hbm.at[idx_v.at[0, pl.ds(0, HPW)]], rows0, s0)
        g1 = pltpu.async_copy(ye_hbm.at[idx_v.at[0, pl.ds(HPW, HPW)]], rows1,
                              s1)
        g0.wait()
        o0 = pltpu.async_copy(rows0, out_hbm.at[pl.ds(base, HPW)], s2)
        g1.wait()
        o1 = pltpu.async_copy(rows1, out_hbm.at[pl.ds(base + HPW, HPW)], s3)
        o0.wait()
        o1.wait()

    return k(ye, slots2)


def kernel(x, gate_W, gate_b, W1, b1, W2, b2, expert_bias):
    slots, xp = _router(x, gate_W, gate_b.reshape(1, E),
                        expert_bias.reshape(1, E))
    slots = slots.reshape(NW, TPW)
    xe = _dispatch(xp, slots)
    ye = _mlp(xe, W1, b1, W2, b2)
    return _combine(ye, slots)

# --- scband reference (transcript-rebuilt; emitter-appended) ---
"""Pipeline reference for scband-aux-free-moe-47949014892923 (READ-ONLY COPY).

The authoritative reference and input builder live on the scoring server;
editing this copy changes nothing except your own understanding.
"""

import jax, jax.numpy as jnp
import numpy as np
import math

E = 64      # num_experts
K = 1       # top_k
D = 768     # num_features (d_model)
H = 768     # expert hidden_size
O = 768     # expert output_size
B = 4096    # tokens (batch 1 x seq 4096)
CF = 2.0    # capacity_factor
CAP = max(1, int(math.ceil(CF * B * K / float(E))))  # per-expert capacity = 128
TEMP = 1.0  # router_temperature


def setup_inputs(seed: int = 0) -> dict:
    key = jax.random.key(seed)
    ks = jax.random.split(key, 8)
    x = jax.random.normal(ks[0], (B, D), dtype=jnp.float32)
    gate_W = jax.random.normal(ks[1], (D, E), dtype=jnp.float32) * (1.0 / np.sqrt(D))
    gate_b = jnp.zeros((E,), dtype=jnp.float32)
    W1 = jax.random.normal(ks[2], (E, D, H), dtype=jnp.float32) * (1.0 / np.sqrt(D))
    b1 = jnp.zeros((E, H), dtype=jnp.float32)
    W2 = jax.random.normal(ks[3], (E, H, O), dtype=jnp.float32) * (1.0 / np.sqrt(H))
    b2 = jnp.zeros((E, O), dtype=jnp.float32)
    expert_bias = jnp.zeros((E,), dtype=jnp.float32)  # non-grad routing-bias buffer
    return {"x": x, "gate_W": gate_W, "gate_b": gate_b, "W1": W1, "b1": b1,
            "W2": W2, "b2": b2, "expert_bias": expert_bias}


def _moe_forward(x, gate_W, gate_b, W1, b1, W2, b2, expert_bias):
    Bn = x.shape[0]
    # router scores with aux-free bias (no noise: per_token_noise=False)
    scores = x @ gate_W + gate_b[None, :] + expert_bias[None, :]
    topk_scores, topk_idx = jax.lax.top_k(scores, K)           # [B, K]
    topk_w = jax.nn.softmax(topk_scores / TEMP, axis=1)        # [B, K]
    # flatten (token, slot) assignments
    a_exp = topk_idx.reshape(-1)                                # [B*K] expert id
    a_w = topk_w.reshape(-1)                                    # [B*K] gate weight
    a_tok = jnp.repeat(jnp.arange(Bn), K)                       # [B*K] token id
    # position within expert, in ascending token order (matches torch nonzero order)
    oh = jax.nn.one_hot(a_exp, E, dtype=jnp.int32)              # [B*K, E]
    pos = jnp.take_along_axis(jnp.cumsum(oh, axis=0), a_exp[:, None], axis=1)[:, 0] - 1
    keep = pos < CAP                                            # drop overflow (strategy='drop')
    slot = jnp.where(keep, a_exp * CAP + pos, E * CAP)          # trash slot = E*CAP
    # dispatch: scatter tokens into [E, CAP, D] expert buffers
    x_a = jnp.take(x, a_tok, axis=0)                            # [B*K, D]
    buf = jnp.zeros((E * CAP + 1, D), dtype=x.dtype).at[slot].set(x_a)
    xe = buf[:E * CAP].reshape(E, CAP, D)
    # expert MLP: Linear -> ReLU -> Linear, per expert
    h = jax.nn.relu(jnp.einsum('ecd,edh->ech', xe, W1) + b1[:, None, :])
    ye = jnp.einsum('ech,eho->eco', h, W2) + b2[:, None, :]
    # combine: gather expert outputs back to tokens, weight by gate, scatter-add
    y_flat = jnp.concatenate([ye.reshape(E * CAP, O), jnp.zeros((1, O), dtype=ye.dtype)], axis=0)
    y_a = jnp.take(y_flat, slot, axis=0)                        # [B*K, O]
    w_eff = a_w * keep.astype(a_w.dtype)
    combined = (w_eff[:, None] * y_a).reshape(Bn, K, O).sum(axis=1)
    return combined


def reference(x, gate_W, gate_b, W1, b1, W2, b2, expert_bias):
    return _moe_forward(x, gate_W, gate_b, W1, b1, W2, b2, expert_bias)

if __name__ == "__main__":
    import jax
    _d = setup_inputs()
    print(jax.jit(kernel)(*tuple(_d.values())))

</pallas_src>

<mosaic_0001>
#map = affine_map<(d0, d1) -> (0, 0)>
module attributes {stable_mosaic.version = 14 : i64} {
  func.func @k(%arg0: i32, %arg1: i32, %arg2: memref<4096x384xi32, #tpu.memory_space<hbm>>, %arg3: memref<32x128xi32, #tpu.memory_space<hbm>>, %arg4: memref<8448x384xi32, #tpu.memory_space<hbm>>, %arg5: memref<1x128xi32, #tpu.memory_space<vmem>>, %arg6: memref<128x384xi32, #tpu.memory_space<vmem>>, %arg7: memref<!tpu.dma_semaphore, #tpu.memory_space<semaphore_mem>>) attributes {dimension_semantics = [#tpu.dimension_semantics<core_parallel>, #tpu.dimension_semantics<subcore_parallel>], iteration_bounds = array<i64: 2, 16>, scalar_prefetch = 0 : i64, scratch_operands = 3 : i64, tpu.core_type = #tpu.core_type<sc_vector_subcore>, window_params = [{transform_indices = #map}, {transform_indices = #map}, {transform_indices = #map}]} {
    %mul3A = arith.constant 2 : i32
    %mul3A_0 = arith.muli %arg1, %mul3A : i32
    %add3A = arith.addi %mul3A_0, %arg0 : i32
    "tpu.region"() ({
      %run_scoped3A = tpu.sem_alloc : memref<!tpu.dma_semaphore, #tpu.memory_space<semaphore_mem>>
      %dma_start3A_15 = arith.constant 0 : i32
      %dma_start3A_16 = tpu.memref_slice %arg3[%add3A, %dma_start3A_15] : memref<32x128xi32, #tpu.memory_space<hbm>> -> memref<1x128xi32, #tpu.memory_space<hbm>>
      %dma_start3A_17 = arith.constant 0 : i32
      %dma_start3A_18 = tpu.memref_slice %arg3[%add3A, %dma_start3A_17] : memref<32x128xi32, #tpu.memory_space<hbm>> -> memref<1x128xi32, #tpu.memory_space<hbm>>
      tpu.enqueue_dma source(%dma_start3A_18 : memref<1x128xi32, #tpu.memory_space<hbm>>) target(%arg5 : memref<1x128xi32, #tpu.memory_space<vmem>>) target_semaphore(%run_scoped3A : memref<!tpu.dma_semaphore, #tpu.memory_space<semaphore_mem>>)
      %dma_wait3A_19 = arith.constant 0 : i32
      %dma_wait3A_20 = tpu.memref_slice %arg3[%add3A, %dma_wait3A_19] : memref<32x128xi32, #tpu.memory_space<hbm>> -> memref<1x128xi32, #tpu.memory_space<hbm>>
      %dma_wait3A_21 = arith.constant 0 : i32
      %dma_wait3A_22 = tpu.memref_slice %arg3[%add3A, %dma_wait3A_21] : memref<32x128xi32, #tpu.memory_space<hbm>> -> memref<1x128xi32, #tpu.memory_space<hbm>>
      tpu.wait_dma2 semaphore(%run_scoped3A : memref<!tpu.dma_semaphore, #tpu.memory_space<semaphore_mem>>) src(%dma_wait3A_22 : memref<1x128xi32, #tpu.memory_space<hbm>>) dst(%arg5 : memref<1x128xi32, #tpu.memory_space<vmem>>)
      tpu.yield
    }) : () -> ()
    %mul3A_1 = arith.constant 128 : i32
    %mul3A_2 = arith.muli %add3A, %mul3A_1 : i32
    "tpu.region"() ({
      %run_scoped3A = tpu.sem_alloc : memref<!tpu.dma_semaphore, #tpu.memory_space<semaphore_mem>>
      %dma_start3A_15 = arith.constant 0 : i32
      %dma_start3A_16 = tpu.memref_slice %arg2[%mul3A_2, %dma_start3A_15] : memref<4096x384xi32, #tpu.memory_space<hbm>> -> memref<128x384xi32, #tpu.memory_space<hbm>>
      %dma_start3A_17 = arith.constant 0 : i32
      %dma_start3A_18 = tpu.memref_slice %arg2[%mul3A_2, %dma_start3A_17] : memref<4096x384xi32, #tpu.memory_space<hbm>> -> memref<128x384xi32, #tpu.memory_space<hbm>>
      tpu.enqueue_dma source(%dma_start3A_18 : memref<128x384xi32, #tpu.memory_space<hbm>>) target(%arg6 : memref<128x384xi32, #tpu.memory_space<vmem>>) target_semaphore(%run_scoped3A : memref<!tpu.dma_semaphore, #tpu.memory_space<semaphore_mem>>)
      %dma_wait3A_19 = arith.constant 0 : i32
      %dma_wait3A_20 = tpu.memref_slice %arg2[%mul3A_2, %dma_wait3A_19] : memref<4096x384xi32, #tpu.memory_space<hbm>> -> memref<128x384xi32, #tpu.memory_space<hbm>>
      %dma_wait3A_21 = arith.constant 0 : i32
      %dma_wait3A_22 = tpu.memref_slice %arg2[%mul3A_2, %dma_wait3A_21] : memref<4096x384xi32, #tpu.memory_space<hbm>> -> memref<128x384xi32, #tpu.memory_space<hbm>>
      tpu.wait_dma2 semaphore(%run_scoped3A : memref<!tpu.dma_semaphore, #tpu.memory_space<semaphore_mem>>) src(%dma_wait3A_22 : memref<128x384xi32, #tpu.memory_space<hbm>>) dst(%arg6 : memref<128x384xi32, #tpu.memory_space<vmem>>)
      tpu.yield
    }) : () -> ()
    %dma_start3A = arith.constant 0 : i32
    %dma_start3A_3 = arith.constant 0 : i32
    %dma_start3A_4 = tpu.memref_slice %arg5[%dma_start3A, %dma_start3A_3] : memref<1x128xi32, #tpu.memory_space<vmem>> -> memref<1x128xi32, #tpu.memory_space<vmem>>
    %dma_start3A_5 = tpu.memref_squeeze %dma_start3A_4 : memref<1x128xi32, #tpu.memory_space<vmem>> -> memref<128xi32, #tpu.memory_space<vmem>>
    %dma_start3A_6 = arith.constant 0 : i32
    %dma_start3A_7 = arith.constant 0 : i32
    %dma_start3A_8 = tpu.memref_slice %arg4[%dma_start3A_6, %dma_start3A_7] : memref<8448x384xi32, #tpu.memory_space<hbm>> -> memref<8448x384xi32, #tpu.memory_space<hbm>>
    tpu.enqueue_indirect_dma source(%arg6 : memref<128x384xi32, #tpu.memory_space<vmem>>) target(%dma_start3A_8 : memref<8448x384xi32, #tpu.memory_space<hbm>>) offsets(%dma_start3A_5 : memref<128xi32, #tpu.memory_space<vmem>>) semaphore(%arg7 : memref<!tpu.dma_semaphore, #tpu.memory_space<semaphore_mem>>)
    %dma_wait3A = arith.constant 0 : i32
    %dma_wait3A_9 = arith.constant 0 : i32
    %dma_wait3A_10 = tpu.memref_slice %arg5[%dma_wait3A, %dma_wait3A_9] : memref<1x128xi32, #tpu.memory_space<vmem>> -> memref<1x128xi32, #tpu.memory_space<vmem>>
    %dma_wait3A_11 = tpu.memref_squeeze %dma_wait3A_10 : memref<1x128xi32, #tpu.memory_space<vmem>> -> memref<128xi32, #tpu.memory_space<vmem>>
    %dma_wait3A_12 = arith.constant 0 : i32
    %dma_wait3A_13 = arith.constant 0 : i32
    %dma_wait3A_14 = tpu.memref_slice %arg4[%dma_wait3A_12, %dma_wait3A_13] : memref<8448x384xi32, #tpu.memory_space<hbm>> -> memref<8448x384xi32, #tpu.memory_space<hbm>>
    tpu.wait_indirect_dma semaphore(%arg7 : memref<!tpu.dma_semaphore, #tpu.memory_space<semaphore_mem>>) src(%arg6 : memref<128x384xi32, #tpu.memory_space<vmem>>) dst(%dma_wait3A_14 : memref<8448x384xi32, #tpu.memory_space<hbm>>)
    return
  }
}

#map = affine_map<(d0, d1) -> (0, 0)>
module attributes {stable_mosaic.version = 14 : i64} {
  func.func @k(%arg0: i32, %arg1: i32, %arg2: memref<8448x768xf32, #tpu.memory_space<hbm>>, %arg3: memref<32x128xi32, #tpu.memory_space<hbm>>, %arg4: memref<4096x768xf32, #tpu.memory_space<hbm>>, %arg5: memref<1x128xi32, #tpu.memory_space<vmem>>, %arg6: memref<64x768xf32, #tpu.memory_space<vmem>>, %arg7: memref<64x768xf32, #tpu.memory_space<vmem>>, %arg8: memref<!tpu.dma_semaphore, #tpu.memory_space<semaphore_mem>>, %arg9: memref<!tpu.dma_semaphore, #tpu.memory_space<semaphore_mem>>, %arg10: memref<!tpu.dma_semaphore, #tpu.memory_space<semaphore_mem>>, %arg11: memref<!tpu.dma_semaphore, #tpu.memory_space<semaphore_mem>>) attributes {dimension_semantics = [#tpu.dimension_semantics<core_parallel>, #tpu.dimension_semantics<subcore_parallel>], iteration_bounds = array<i64: 2, 16>, scalar_prefetch = 0 : i64, scratch_operands = 7 : i64, tpu.core_type = #tpu.core_type<sc_vector_subcore>, window_params = [{transform_indices = #map}, {transform_indices = #map}, {transform_indices = #map}]} {
    %mul3A = arith.constant 2 : i32
    %mul3A_0 = arith.muli %arg1, %mul3A : i32
    %add3A = arith.addi %mul3A_0, %arg0 : i32
    %mul3A_1 = arith.constant 128 : i32
    %mul3A_2 = arith.muli %add3A, %mul3A_1 : i32
    "tpu.region"() ({
      %run_scoped3A = tpu.sem_alloc : memref<!tpu.dma_semaphore, #tpu.memory_space<semaphore_mem>>
      %dma_start3A_47 = arith.constant 0 : i32
      %dma_start3A_48 = tpu.memref_slice %arg3[%add3A, %dma_start3A_47] : memref<32x128xi32, #tpu.memory_space<hbm>> -> memref<1x128xi32, #tpu.memory_space<hbm>>
      %dma_start3A_49 = arith.constant 0 : i32
      %dma_start3A_50 = tpu.memref_slice %arg3[%add3A, %dma_start3A_49] : memref<32x128xi32, #tpu.memory_space<hbm>> -> memref<1x128xi32, #tpu.memory_space<hbm>>
      tpu.enqueue_dma source(%dma_start3A_50 : memref<1x128xi32, #tpu.memory_space<hbm>>) target(%arg5 : memref<1x128xi32, #tpu.memory_space<vmem>>) target_semaphore(%run_scoped3A : memref<!tpu.dma_semaphore, #tpu.memory_space<semaphore_mem>>)
      %dma_wait3A_51 = arith.constant 0 : i32
      %dma_wait3A_52 = tpu.memref_slice %arg3[%add3A, %dma_wait3A_51] : memref<32x128xi32, #tpu.memory_space<hbm>> -> memref<1x128xi32, #tpu.memory_space<hbm>>
      %dma_wait3A_53 = arith.constant 0 : i32
      %dma_wait3A_54 = tpu.memref_slice %arg3[%add3A, %dma_wait3A_53] : memref<32x128xi32, #tpu.memory_space<hbm>> -> memref<1x128xi32, #tpu.memory_space<hbm>>
      tpu.wait_dma2 semaphore(%run_scoped3A : memref<!tpu.dma_semaphore, #tpu.memory_space<semaphore_mem>>) src(%dma_wait3A_54 : memref<1x128xi32, #tpu.memory_space<hbm>>) dst(%arg5 : memref<1x128xi32, #tpu.memory_space<vmem>>)
      tpu.yield
    }) : () -> ()
    %dma_start3A = arith.constant 0 : i32
    %dma_start3A_3 = arith.constant 0 : i32
    %dma_start3A_4 = tpu.memref_slice %arg5[%dma_start3A, %dma_start3A_3] : memref<1x128xi32, #tpu.memory_space<vmem>> -> memref<1x64xi32, #tpu.memory_space<vmem>>
    %dma_start3A_5 = tpu.memref_squeeze %dma_start3A_4 : memref<1x64xi32, #tpu.memory_space<vmem>> -> memref<64xi32, #tpu.memory_space<vmem>>
    %dma_start3A_6 = arith.constant 0 : i32
    %dma_start3A_7 = arith.constant 0 : i32
    %dma_start3A_8 = tpu.memref_slice %arg2[%dma_start3A_6, %dma_start3A_7] : memref<8448x768xf32, #tpu.memory_space<hbm>> -> memref<8448x768xf32, #tpu.memory_space<hbm>>
    tpu.enqueue_indirect_dma source(%dma_start3A_8 : memref<8448x768xf32, #tpu.memory_space<hbm>>) target(%arg6 : memref<64x768xf32, #tpu.memory_space<vmem>>) offsets(%dma_start3A_5 : memref<64xi32, #tpu.memory_space<vmem>>) semaphore(%arg8 : memref<!tpu.dma_semaphore, #tpu.memory_space<semaphore_mem>>)
    %dma_start3A_9 = arith.constant 0 : i32
    %dma_start3A_10 = arith.constant 64 : i32
    %dma_start3A_11 = tpu.memref_slice %arg5[%dma_start3A_9, %dma_start3A_10] : memref<1x128xi32, #tpu.memory_space<vmem>> -> memref<1x64xi32, #tpu.memory_space<vmem>>
    %dma_start3A_12 = tpu.memref_squeeze %dma_start3A_11 : memref<1x64xi32, #tpu.memory_space<vmem>> -> memref<64xi32, #tpu.memory_space<vmem>>
    %dma_start3A_13 = arith.constant 0 : i32
    %dma_start3A_14 = arith.constant 0 : i32
    %dma_start3A_15 = tpu.memref_slice %arg2[%dma_start3A_13, %dma_start3A_14] : memref<8448x768xf32, #tpu.memory_space<hbm>> -> memref<8448x768xf32, #tpu.memory_space<hbm>>
    tpu.enqueue_indirect_dma source(%dma_start3A_15 : memref<8448x768xf32, #tpu.memory_space<hbm>>) target(%arg7 : memref<64x768xf32, #tpu.memory_space<vmem>>) offsets(%dma_start3A_12 : memref<64xi32, #tpu.memory_space<vmem>>) semaphore(%arg9 : memref<!tpu.dma_semaphore, #tpu.memory_space<semaphore_mem>>)
    %dma_wait3A = arith.constant 0 : i32
    %dma_wait3A_16 = arith.constant 0 : i32
    %dma_wait3A_17 = tpu.memref_slice %arg5[%dma_wait3A, %dma_wait3A_16] : memref<1x128xi32, #tpu.memory_space<vmem>> -> memref<1x64xi32, #tpu.memory_space<vmem>>
    %dma_wait3A_18 = tpu.memref_squeeze %dma_wait3A_17 : memref<1x64xi32, #tpu.memory_space<vmem>> -> memref<64xi32, #tpu.memory_space<vmem>>
    %dma_wait3A_19 = arith.constant 0 : i32
    %dma_wait3A_20 = arith.constant 0 : i32
    %dma_wait3A_21 = tpu.memref_slice %arg2[%dma_wait3A_19, %dma_wait3A_20] : memref<8448x768xf32, #tpu.memory_space<hbm>> -> memref<8448x768xf32, #tpu.memory_space<hbm>>
    tpu.wait_indirect_dma semaphore(%arg8 : memref<!tpu.dma_semaphore, #tpu.memory_space<semaphore_mem>>) src(%dma_wait3A_21 : memref<8448x768xf32, #tpu.memory_space<hbm>>) dst(%arg6 : memref<64x768xf32, #tpu.memory_space<vmem>>)
    %dma_start3A_22 = arith.constant 0 : i32
    %dma_start3A_23 = tpu.memref_slice %arg4[%mul3A_2, %dma_start3A_22] : memref<4096x768xf32, #tpu.memory_space<hbm>> -> memref<64x768xf32, #tpu.memory_space<hbm>>
    %dma_start3A_24 = arith.constant 0 : i32
    %dma_start3A_25 = tpu.memref_slice %arg4[%mul3A_2, %dma_start3A_24] : memref<4096x768xf32, #tpu.memory_space<hbm>> -> memref<64x768xf32, #tpu.memory_space<hbm>>
    tpu.enqueue_dma source(%arg6 : memref<64x768xf32, #tpu.memory_space<vmem>>) target(%dma_start3A_25 : memref<64x768xf32, #tpu.memory_space<hbm>>) target_semaphore(%arg10 : memref<!tpu.dma_semaphore, #tpu.memory_space<semaphore_mem>>)
    %dma_wait3A_26 = arith.constant 0 : i32
    %dma_wait3A_27 = arith.constant 64 : i32
    %dma_wait3A_28 = tpu.memref_slice %arg5[%dma_wait3A_26, %dma_wait3A_27] : memref<1x128xi32, #tpu.memory_space<vmem>> -> memref<1x64xi32, #tpu.memory_space<vmem>>
    %dma_wait3A_29 = tpu.memref_squeeze %dma_wait3A_28 : memref<1x64xi32, #tpu.memory_space<vmem>> -> memref<64xi32, #tpu.memory_space<vmem>>
    %dma_wait3A_30 = arith.constant 0 : i32
    %dma_wait3A_31 = arith.constant 0 : i32
    %dma_wait3A_32 = tpu.memref_slice %arg2[%dma_wait3A_30, %dma_wait3A_31] : memref<8448x768xf32, #tpu.memory_space<hbm>> -> memref<8448x768xf32, #tpu.memory_space<hbm>>
    tpu.wait_indirect_dma semaphore(%arg9 : memref<!tpu.dma_semaphore, #tpu.memory_space<semaphore_mem>>) src(%dma_wait3A_32 : memref<8448x768xf32, #tpu.memory_space<hbm>>) dst(%arg7 : memref<64x768xf32, #tpu.memory_space<vmem>>)
    %add3A_33 = arith.constant 64 : i32
    %add3A_34 = arith.addi %mul3A_2, %add3A_33 : i32
    %dma_start3A_35 = arith.constant 0 : i32
    %dma_start3A_36 = tpu.memref_slice %arg4[%add3A_34, %dma_start3A_35] : memref<4096x768xf32, #tpu.memory_space<hbm>> -> memref<64x768xf32, #tpu.memory_space<hbm>>
    %dma_start3A_37 = arith.constant 0 : i32
    %dma_start3A_38 = tpu.memref_slice %arg4[%add3A_34, %dma_start3A_37] : memref<4096x768xf32, #tpu.memory_space<hbm>> -> memref<64x768xf32, #tpu.memory_space<hbm>>
    tpu.enqueue_dma source(%arg7 : memref<64x768xf32, #tpu.memory_space<vmem>>) target(%dma_start3A_38 : memref<64x768xf32, #tpu.memory_space<hbm>>) target_semaphore(%arg11 : memref<!tpu.dma_semaphore, #tpu.memory_space<semaphore_mem>>)
    %dma_wait3A_39 = arith.constant 0 : i32
    %dma_wait3A_40 = tpu.memref_slice %arg4[%mul3A_2, %dma_wait3A_39] : memref<4096x768xf32, #tpu.memory_space<hbm>> -> memref<64x768xf32, #tpu.memory_space<hbm>>
    %dma_wait3A_41 = arith.constant 0 : i32
    %dma_wait3A_42 = tpu.memref_slice %arg4[%mul3A_2, %dma_wait3A_41] : memref<4096x768xf32, #tpu.memory_space<hbm>> -> memref<64x768xf32, #tpu.memory_space<hbm>>
    tpu.wait_dma2 semaphore(%arg10 : memref<!tpu.dma_semaphore, #tpu.memory_space<semaphore_mem>>) src(%arg6 : memref<64x768xf32, #tpu.memory_space<vmem>>) dst(%dma_wait3A_42 : memref<64x768xf32, #tpu.memory_space<hbm>>)
    %dma_wait3A_43 = arith.constant 0 : i32
    %dma_wait3A_44 = tpu.memref_slice %arg4[%add3A_34, %dma_wait3A_43] : memref<4096x768xf32, #tpu.memory_space<hbm>> -> memref<64x768xf32, #tpu.memory_space<hbm>>
    %dma_wait3A_45 = arith.constant 0 : i32
    %dma_wait3A_46 = tpu.memref_slice %arg4[%add3A_34, %dma_wait3A_45] : memref<4096x768xf32, #tpu.memory_space<hbm>> -> memref<64x768xf32, #tpu.memory_space<hbm>>
    tpu.wait_dma2 semaphore(%arg11 : memref<!tpu.dma_semaphore, #tpu.memory_space<semaphore_mem>>) src(%arg7 : memref<64x768xf32, #tpu.memory_space<vmem>>) dst(%dma_wait3A_46 : memref<64x768xf32, #tpu.memory_space<hbm>>)
    return
  }
}

module attributes {stable_mosaic.version = 14 : i64} {
  func.func @_router_body(%arg0: i32, %arg1: memref<1024x768xf32, #tpu.memory_space<vmem>>, %arg2: memref<768x64xf32, #tpu.memory_space<vmem>>, %arg3: memref<1x64xf32, #tpu.memory_space<vmem>>, %arg4: memref<1x64xf32, #tpu.memory_space<vmem>>, %arg5: memref<1024x1xi32, #tpu.memory_space<vmem>>, %arg6: memref<1024x384xi32, #tpu.memory_space<vmem>>, %arg7: memref<1x64xf32, #tpu.memory_space<vmem>>, %arg8: memref<1024x1024xbf16, #tpu.memory_space<vmem>>) attributes {dimension_semantics = [#tpu.dimension_semantics<arbitrary>], iteration_bounds = array<i64: 4>, scalar_prefetch = 0 : i64, scratch_operands = 2 : i64, tpu.core_type = #tpu.core_type<tc>, window_params = [{transform_indices = @transform_0, window_bounds = array<i64: 1024, 768>}, {pipeline_mode = #tpu.pipeline_mode<synchronous>, transform_indices = @transform_1, window_bounds = array<i64: 768, 64>}, {pipeline_mode = #tpu.pipeline_mode<synchronous>, transform_indices = @transform_2, window_bounds = array<i64: 1, 64>}, {pipeline_mode = #tpu.pipeline_mode<synchronous>, transform_indices = @transform_3, window_bounds = array<i64: 1, 64>}, {transform_indices = @transform_4, window_bounds = array<i64: 1024, 1>}, {transform_indices = @transform_5, window_bounds = array<i64: 1024, 384>}]} {
    %eq3A = arith.constant 0 : i32
    %eq3A_0 = arith.cmpi eq, %arg0, %eq3A : i32
    %convert_element_type3A = arith.extui %eq3A_0 : i1 to i32
    %cond3A = arith.constant 0 : i32
    %cond3A_1 = arith.cmpi ne, %convert_element_type3A, %cond3A : i32
    scf.if %cond3A_1 {
      %broadcast_in_dim3A_71 = arith.constant 0.000000e+00 : f32
      %broadcast_in_dim3A_72 = vector.broadcast %broadcast_in_dim3A_71 : f32 to vector<1x64xf32>
      %swap3A_73 = arith.constant 0 : index
      %swap3A_74 = arith.constant 0 : index
      %swap3A_75 = vector.load %arg7[%swap3A_73, %swap3A_74] : memref<1x64xf32, #tpu.memory_space<vmem>>, vector<1x64xf32>
      tpu.vector_store %arg7[%swap3A_73, %swap3A_74], %broadcast_in_dim3A_72 {strides = array<i32>} : memref<1x64xf32, #tpu.memory_space<vmem>>, vector<1x64xf32>,
      %iota3A_76 = tpu.iota {dimensions = array<i32: 0>} : vector<1024x1024xi32>
      %iota3A_77 = tpu.iota {dimensions = array<i32: 1>} : vector<1024x1024xi32>
      %ge3A = arith.cmpi sge, %iota3A_76, %iota3A_77 : vector<1024x1024xi32>
      %convert_element_type3A_78 = arith.extui %ge3A : vector<1024x1024xi1> to vector<1024x1024xi32>
      %convert_element_type3A_79 = arith.sitofp %convert_element_type3A_78 : vector<1024x1024xi32> to vector<1024x1024xf32>
      %convert_element_type3A_80 = arith.truncf %convert_element_type3A_79 : vector<1024x1024xf32> to vector<1024x1024xbf16>
      %swap3A_81 = arith.constant 0 : index
      %swap3A_82 = arith.constant 0 : index
      %swap3A_83 = vector.load %arg8[%swap3A_81, %swap3A_82] : memref<1024x1024xbf16, #tpu.memory_space<vmem>>, vector<1024x1024xbf16>
      tpu.vector_store %arg8[%swap3A_81, %swap3A_82], %convert_element_type3A_80 {strides = array<i32>} : memref<1024x1024xbf16, #tpu.memory_space<vmem>>, vector<1024x1024xbf16>,
    } else {
    }
    %get3A = arith.constant 0 : index
    %get3A_2 = arith.constant 0 : index
    %get3A_3 = vector.load %arg1[%get3A, %get3A_2] : memref<1024x768xf32, #tpu.memory_space<vmem>>, vector<1024x768xf32>
    %convert_element_type3A_4 = arith.truncf %get3A_3 : vector<1024x768xf32> to vector<1024x768xbf16>
    %slice3A = vector.extract_strided_slice %convert_element_type3A_4 {offsets = [0, 0], sizes = [1024, 384], strides = [1, 1]} : vector<1024x768xbf16> to vector<1024x384xbf16>
    %bitcast_convert_type3A = tpu.bitcast %slice3A : vector<1024x384xbf16> -> vector<1024x384xi16>
    %slice3A_5 = vector.extract_strided_slice %convert_element_type3A_4 {offsets = [0, 384], sizes = [1024, 384], strides = [1, 1]} : vector<1024x768xbf16> to vector<1024x384xbf16>
    %bitcast_convert_type3A_6 = tpu.bitcast %slice3A_5 : vector<1024x384xbf16> -> vector<1024x384xi16>
    %convert_element_type3A_7 = arith.extui %bitcast_convert_type3A : vector<1024x384xi16> to vector<1024x384xi32>
    %convert_element_type3A_8 = arith.extui %bitcast_convert_type3A_6 : vector<1024x384xi16> to vector<1024x384xi32>
    %shift_left3A = arith.constant 16 : i32
    %shift_left3A_9 = vector.broadcast %shift_left3A : i32 to vector<1024x384xi32>
    %shift_left3A_10 = arith.shli %convert_element_type3A_8, %shift_left3A_9 : vector<1024x384xi32>
    %or3A = arith.ori %convert_element_type3A_7, %shift_left3A_10 : vector<1024x384xi32>
    %swap3A = arith.constant 0 : index
    %swap3A_11 = arith.constant 0 : index
    %swap3A_12 = vector.load %arg6[%swap3A, %swap3A_11] : memref<1024x384xi32, #tpu.memory_space<vmem>>, vector<1024x384xi32>
    tpu.vector_store %arg6[%swap3A, %swap3A_11], %or3A {strides = array<i32>} : memref<1024x384xi32, #tpu.memory_space<vmem>>, vector<1024x384xi32>,
    %get3A_13 = arith.constant 0 : index
    %get3A_14 = arith.constant 0 : index
    %get3A_15 = vector.load %arg2[%get3A_13, %get3A_14] : memref<768x64xf32, #tpu.memory_space<vmem>>, vector<768x64xf32>
    %dot_general3A = arith.constant dense<0.000000e+00> : vector<1024x64xf32>
    %dot_general3A_16 = tpu.matmul %get3A_3, %get3A_15, %dot_general3A {dimension_numbers = #tpu.dot_dimension_numbers<[1], [0], [0], [1], [0, 0, 1, 1], [], []>, transpose_lhs_hint = false} : vector<1024x768xf32>, vector<768x64xf32>, vector<1024x64xf32> -> vector<1024x64xf32>
    %get3A_17 = arith.constant 0 : index
    %get3A_18 = arith.constant 0 : index
    %get3A_19 = vector.load %arg3[%get3A_17, %get3A_18] : memref<1x64xf32, #tpu.memory_space<vmem>>, vector<1x64xf32>
    %add3A = vector.broadcast %get3A_19 : vector<1x64xf32> to vector<1024x64xf32>
    %add3A_20 = arith.addf %dot_general3A_16, %add3A : vector<1024x64xf32>
    %get3A_21 = arith.constant 0 : index
    %get3A_22 = arith.constant 0 : index
    %get3A_23 = vector.load %arg4[%get3A_21, %get3A_22] : memref<1x64xf32, #tpu.memory_space<vmem>>, vector<1x64xf32>
    %add3A_24 = vector.broadcast %get3A_23 : vector<1x64xf32> to vector<1024x64xf32>
    %add3A_25 = arith.addf %add3A_20, %add3A_24 : vector<1024x64xf32>
    %iota3A = tpu.iota {dimensions = array<i32: 1>} : vector<1024x64xi32>
    %convert_element_type3A_26 = arith.sitofp %iota3A : vector<1024x64xi32> to vector<1024x64xf32>
    %reduce_max3A = arith.constant dense<0xFF800000> : vector<1024xf32>
    %reduce_max3A_27 = vector.multi_reduction <maximumf>, %add3A_25, %reduce_max3A [1] : vector<1024x64xf32> to vector<1024xf32>
    %broadcast_in_dim3A = vector.shape_cast %reduce_max3A_27 : vector<1024xf32> to vector<1024x1xf32>
    %eq3A_28 = vector.broadcast %broadcast_in_dim3A : vector<1024x1xf32> to vector<1024x64xf32>
    %eq3A_29 = arith.cmpf oeq, %add3A_25, %eq3A_28 : vector<1024x64xf32>
    %jit3A = arith.constant 6.400000e+01 : f32
    %broadcast_in_dim3A_30 = vector.broadcast %jit3A : f32 to vector<1024x64xf32>
    %select_n3A = arith.select %eq3A_29, %convert_element_type3A_26, %broadcast_in_dim3A_30 : vector<1024x64xi1>, vector<1024x64xf32>
    %reduce_min3A = arith.constant dense<0x7F800000> : vector<1024xf32>
    %reduce_min3A_31 = vector.multi_reduction <minimumf>, %select_n3A, %reduce_min3A [1] : vector<1024x64xf32> to vector<1024xf32>
    %broadcast_in_dim3A_32 = vector.shape_cast %reduce_min3A_31 : vector<1024xf32> to vector<1024x1xf32>
    %eq3A_33 = vector.broadcast %broadcast_in_dim3A_32 : vector<1024x1xf32> to vector<1024x64xf32>
    %eq3A_34 = arith.cmpf oeq, %convert_element_type3A_26, %eq3A_33 : vector<1024x64xf32>
    %get3A_35 = arith.constant 0 : index
    %get3A_36 = arith.constant 0 : index
    %get3A_37 = vector.load %arg8[%get3A_35, %get3A_36] : memref<1024x1024xbf16, #tpu.memory_space<vmem>>, vector<1024x1024xbf16>
    %convert_element_type3A_38 = arith.extui %eq3A_34 : vector<1024x64xi1> to vector<1024x64xi32>
    %convert_element_type3A_39 = arith.sitofp %convert_element_type3A_38 : vector<1024x64xi32> to vector<1024x64xf32>
    %convert_element_type3A_40 = arith.truncf %convert_element_type3A_39 : vector<1024x64xf32> to vector<1024x64xbf16>
    %dot_general3A_41 = arith.constant dense<0.000000e+00> : vector<1024x64xf32>
    %dot_general3A_42 = tpu.matmul %get3A_37, %convert_element_type3A_40, %dot_general3A_41 {dimension_numbers = #tpu.dot_dimension_numbers<[1], [0], [0], [1], [0, 0, 1, 1], [], []>, transpose_lhs_hint = false} : vector<1024x1024xbf16>, vector<1024x64xbf16>, vector<1024x64xf32> -> vector<1024x64xf32>
    %get3A_43 = arith.constant 0 : index
    %get3A_44 = arith.constant 0 : index
    %get3A_45 = vector.load %arg7[%get3A_43, %get3A_44] : memref<1x64xf32, #tpu.memory_space<vmem>>, vector<1x64xf32>
    %add3A_46 = vector.broadcast %get3A_45 : vector<1x64xf32> to vector<1024x64xf32>
    %add3A_47 = arith.addf %dot_general3A_42, %add3A_46 : vector<1024x64xf32>
    %jit3A_48 = arith.constant 0.000000e+00 : f32
    %broadcast_in_dim3A_49 = vector.broadcast %jit3A_48 : f32 to vector<1024x64xf32>
    %select_n3A_50 = arith.select %eq3A_34, %add3A_47, %broadcast_in_dim3A_49 : vector<1024x64xi1>, vector<1024x64xf32>
    %reduce_sum3A = arith.constant dense<0.000000e+00> : vector<1024xf32>
    %reduce_sum3A_51 = vector.multi_reduction <add>, %select_n3A_50, %reduce_sum3A [1] : vector<1024x64xf32> to vector<1024xf32>
    %broadcast_in_dim3A_52 = vector.shape_cast %reduce_sum3A_51 : vector<1024xf32> to vector<1024x1xf32>
    %sub3A = arith.constant 1.000000e+00 : f32
    %sub3A_53 = vector.broadcast %sub3A : f32 to vector<1024x1xf32>
    %sub3A_54 = arith.subf %broadcast_in_dim3A_52, %sub3A_53 : vector<1024x1xf32>
    %lt3A = arith.constant 1.280000e+02 : f32
    %lt3A_55 = vector.broadcast %lt3A : f32 to vector<1024x1xf32>
    %lt3A_56 = arith.cmpf olt, %sub3A_54, %lt3A_55 : vector<1024x1xf32>
    %mul3A = arith.constant 1.280000e+02 : f32
    %mul3A_57 = vector.broadcast %mul3A : f32 to vector<1024x1xf32>
    %mul3A_58 = arith.mulf %broadcast_in_dim3A_32, %mul3A_57 : vector<1024x1xf32>
    %add3A_59 = arith.addf %mul3A_58, %sub3A_54 : vector<1024x1xf32>
    %jit3A_60 = arith.constant 8.192000e+03 : f32
    %broadcast_in_dim3A_61 = vector.broadcast %jit3A_60 : f32 to vector<1024x1xf32>
    %select_n3A_62 = arith.select %lt3A_56, %add3A_59, %broadcast_in_dim3A_61 : vector<1024x1xi1>, vector<1024x1xf32>
    %convert_element_type3A_63 = arith.fptosi %select_n3A_62 : vector<1024x1xf32> to vector<1024x1xi32>
    %swap3A_64 = arith.constant 0 : index
    %swap3A_65 = arith.constant 0 : index
    %swap3A_66 = vector.load %arg5[%swap3A_64, %swap3A_65] : memref<1024x1xi32, #tpu.memory_space<vmem>>, vector<1024x1xi32>
    tpu.vector_store %arg5[%swap3A_64, %swap3A_65], %convert_element_type3A_63 {strides = array<i32>} : memref<1024x1xi32, #tpu.memory_space<vmem>>, vector<1024x1xi32>,
    %slice3A_67 = vector.extract_strided_slice %add3A_47 {offsets = [1023, 0], sizes = [1, 64], strides = [1, 1]} : vector<1024x64xf32> to vector<1x64xf32>
    %swap3A_68 = arith.constant 0 : index
    %swap3A_69 = arith.constant 0 : index
    %swap3A_70 = vector.load %arg7[%swap3A_68, %swap3A_69] : memref<1x64xf32, #tpu.memory_space<vmem>>, vector<1x64xf32>
    tpu.vector_store %arg7[%swap3A_68, %swap3A_69], %slice3A_67 {strides = array<i32>} : memref<1x64xf32, #tpu.memory_space<vmem>>, vector<1x64xf32>,
    return
  }
  func.func @transform_0(%arg0: i32) -> (i32, i32) {
    %c0_i32 = arith.constant 0 : i32
    %c0_i32_0 = arith.constant 0 : i32
    return %arg0, %c0_i32 : i32, i32
  }
  func.func @transform_1(%arg0: i32) -> (i32, i32) {
    %c0_i32 = arith.constant 0 : i32
    %c0_i32_0 = arith.constant 0 : i32
    %c0_i32_1 = arith.constant 0 : i32
    return %c0_i32, %c0_i32_0 : i32, i32
  }
  func.func @transform_2(%arg0: i32) -> (i32, i32) {
    %c0_i32 = arith.constant 0 : i32
    %c0_i32_0 = arith.constant 0 : i32
    %c0_i32_1 = arith.constant 0 : i32
    return %c0_i32, %c0_i32_0 : i32, i32
  }
  func.func @transform_3(%arg0: i32) -> (i32, i32) {
    %c0_i32 = arith.constant 0 : i32
    %c0_i32_0 = arith.constant 0 : i32
    %c0_i32_1 = arith.constant 0 : i32
    return %c0_i32, %c0_i32_0 : i32, i32
  }
  func.func @transform_4(%arg0: i32) -> (i32, i32) {
    %c0_i32 = arith.constant 0 : i32
    %c0_i32_0 = arith.constant 0 : i32
    return %arg0, %c0_i32 : i32, i32
  }
  func.func @transform_5(%arg0: i32) -> (i32, i32) {
    %c0_i32 = arith.constant 0 : i32
    %c0_i32_0 = arith.constant 0 : i32
    return %arg0, %c0_i32 : i32, i32
  }
}

module attributes {stable_mosaic.version = 14 : i64} {
  func.func @_mlp_body(%arg0: i32, %arg1: memref<256x384xi32, #tpu.memory_space<vmem>>, %arg2: memref<2x768x768xf32, #tpu.memory_space<vmem>>, %arg3: memref<64x768xf32, #tpu.memory_space<vmem>>, %arg4: memref<2x768x768xf32, #tpu.memory_space<vmem>>, %arg5: memref<64x768xf32, #tpu.memory_space<vmem>>, %arg6: memref<256x768xf32, #tpu.memory_space<vmem>>) attributes {dimension_semantics = [#tpu.dimension_semantics<arbitrary>], iteration_bounds = array<i64: 33>, scalar_prefetch = 0 : i64, scratch_operands = 0 : i64, tpu.core_type = #tpu.core_type<tc>, window_params = [{transform_indices = @transform_0, window_bounds = array<i64: 256, 384>}, {transform_indices = @transform_1, window_bounds = array<i64: 2, 768, 768>}, {pipeline_mode = #tpu.pipeline_mode<synchronous>, transform_indices = @transform_2, window_bounds = array<i64: 64, 768>}, {transform_indices = @transform_3, window_bounds = array<i64: 2, 768, 768>}, {pipeline_mode = #tpu.pipeline_mode<synchronous>, transform_indices = @transform_4, window_bounds = array<i64: 64, 768>}, {transform_indices = @transform_5, window_bounds = array<i64: 256, 768>}]} {
    %lt3A = arith.constant 32 : i32
    %lt3A_0 = arith.cmpi slt, %arg0, %lt3A : i32
    %convert_element_type3A = arith.extui %lt3A_0 : i1 to i32
    %cond3A = arith.constant 0 : i32
    %cond3A_1 = arith.cmpi ne, %convert_element_type3A, %cond3A : i32
    scf.if %cond3A_1 {
      %mul3A = arith.constant 2 : i32
      %mul3A_6 = arith.muli %arg0, %mul3A : i32
      %add3A = arith.constant 0 : i32
      %add3A_7 = arith.addi %mul3A_6, %add3A : i32
      %min3A = arith.constant 63 : i32
      %min3A_8 = arith.minsi %add3A_7, %min3A : i32
      %get3A = arith.constant 0 : index
      %get3A_9 = arith.constant 0 : index
      %get3A_10 = vector.load %arg1[%get3A, %get3A_9] : memref<256x384xi32, #tpu.memory_space<vmem>>, vector<128x384xi32>
      %and3A = arith.constant 65535 : i32
      %and3A_11 = vector.broadcast %and3A : i32 to vector<128x384xi32>
      %and3A_12 = arith.andi %get3A_10, %and3A_11 : vector<128x384xi32>
      %convert_element_type3A_13 = arith.trunci %and3A_12 : vector<128x384xi32> to vector<128x384xi16>
      %bitcast_convert_type3A = tpu.bitcast %convert_element_type3A_13 : vector<128x384xi16> -> vector<128x384xbf16>
      %shift_right_logical3A = arith.constant 16 : i32
      %shift_right_logical3A_14 = vector.broadcast %shift_right_logical3A : i32 to vector<128x384xi32>
      %shift_right_logical3A_15 = arith.shrui %get3A_10, %shift_right_logical3A_14 : vector<128x384xi32>
      %convert_element_type3A_16 = arith.trunci %shift_right_logical3A_15 : vector<128x384xi32> to vector<128x384xi16>
      %bitcast_convert_type3A_17 = tpu.bitcast %convert_element_type3A_16 : vector<128x384xi16> -> vector<128x384xbf16>
      %concatenate3A = tpu.concatenate %bitcast_convert_type3A, %bitcast_convert_type3A_17 in 1 : vector<128x384xbf16>, vector<128x384xbf16> -> vector<128x768xbf16>
      %get3A_18 = arith.constant 0 : index
      %get3A_19 = arith.constant 0 : index
      %get3A_20 = arith.constant 0 : index
      %get3A_21 = vector.load %arg2[%get3A_18, %get3A_19, %get3A_20] : memref<2x768x768xf32, #tpu.memory_space<vmem>>, vector<1x768x768xf32>
      %get3A_22 = vector.shape_cast %get3A_21 : vector<1x768x768xf32> to vector<768x768xf32>
      %convert_element_type3A_23 = arith.truncf %get3A_22 : vector<768x768xf32> to vector<768x768xbf16>
      %get3A_24 = arith.index_cast %min3A_8 : i32 to index
      %get3A_25 = arith.constant 0 : index
      %get3A_26 = vector.load %arg3[%get3A_24, %get3A_25] : memref<64x768xf32, #tpu.memory_space<vmem>>, vector<1x768xf32>
      %dot_general3A = arith.constant dense<0.000000e+00> : vector<128x768xf32>
      %dot_general3A_27 = tpu.matmul %concatenate3A, %convert_element_type3A_23, %dot_general3A {dimension_numbers = #tpu.dot_dimension_numbers<[1], [0], [0], [1], [0, 0, 1, 1], [], []>, transpose_lhs_hint = false} : vector<128x768xbf16>, vector<768x768xbf16>, vector<128x768xf32> -> vector<128x768xf32>
      %add3A_28 = vector.broadcast %get3A_26 : vector<1x768xf32> to vector<128x768xf32>
      %add3A_29 = arith.addf %dot_general3A_27, %add3A_28 : vector<128x768xf32>
      %max3A = arith.constant 0.000000e+00 : f32
      %max3A_30 = vector.broadcast %max3A : f32 to vector<128x768xf32>
      %max3A_31 = arith.maximumf %add3A_29, %max3A_30 : vector<128x768xf32>
      %get3A_32 = arith.constant 0 : index
      %get3A_33 = arith.constant 0 : index
      %get3A_34 = arith.constant 0 : index
      %get3A_35 = vector.load %arg4[%get3A_32, %get3A_33, %get3A_34] : memref<2x768x768xf32, #tpu.memory_space<vmem>>, vector<1x768x768xf32>
      %get3A_36 = vector.shape_cast %get3A_35 : vector<1x768x768xf32> to vector<768x768xf32>
      %convert_element_type3A_37 = arith.truncf %get3A_36 : vector<768x768xf32> to vector<768x768xbf16>
      %get3A_38 = arith.index_cast %min3A_8 : i32 to index
      %get3A_39 = arith.constant 0 : index
      %get3A_40 = vector.load %arg5[%get3A_38, %get3A_39] : memref<64x768xf32, #tpu.memory_space<vmem>>, vector<1x768xf32>
      %convert_element_type3A_41 = arith.truncf %max3A_31 : vector<128x768xf32> to vector<128x768xbf16>
      %dot_general3A_42 = arith.constant dense<0.000000e+00> : vector<128x768xf32>
      %dot_general3A_43 = tpu.matmul %convert_element_type3A_41, %convert_element_type3A_37, %dot_general3A_42 {dimension_numbers = #tpu.dot_dimension_numbers<[1], [0], [0], [1], [0, 0, 1, 1], [], []>, transpose_lhs_hint = false} : vector<128x768xbf16>, vector<768x768xbf16>, vector<128x768xf32> -> vector<128x768xf32>
      %add3A_44 = vector.broadcast %get3A_40 : vector<1x768xf32> to vector<128x768xf32>
      %add3A_45 = arith.addf %dot_general3A_43, %add3A_44 : vector<128x768xf32>
      %swap3A = arith.constant 0 : index
      %swap3A_46 = arith.constant 0 : index
      %swap3A_47 = vector.load %arg6[%swap3A, %swap3A_46] : memref<256x768xf32, #tpu.memory_space<vmem>>, vector<128x768xf32>
      tpu.vector_store %arg6[%swap3A, %swap3A_46], %add3A_45 {strides = array<i32>} : memref<256x768xf32, #tpu.memory_space<vmem>>, vector<128x768xf32>,
      %mul3A_48 = arith.constant 2 : i32
      %mul3A_49 = arith.muli %arg0, %mul3A_48 : i32
      %add3A_50 = arith.constant 1 : i32
      %add3A_51 = arith.addi %mul3A_49, %add3A_50 : i32
      %min3A_52 = arith.constant 63 : i32
      %min3A_53 = arith.minsi %add3A_51, %min3A_52 : i32
      %get3A_54 = arith.constant 128 : index
      %get3A_55 = arith.constant 0 : index
      %get3A_56 = vector.load %arg1[%get3A_54, %get3A_55] : memref<256x384xi32, #tpu.memory_space<vmem>>, vector<128x384xi32>
      %and3A_57 = arith.constant 65535 : i32
      %and3A_58 = vector.broadcast %and3A_57 : i32 to vector<128x384xi32>
      %and3A_59 = arith.andi %get3A_56, %and3A_58 : vector<128x384xi32>
      %convert_element_type3A_60 = arith.trunci %and3A_59 : vector<128x384xi32> to vector<128x384xi16>
      %bitcast_convert_type3A_61 = tpu.bitcast %convert_element_type3A_60 : vector<128x384xi16> -> vector<128x384xbf16>
      %shift_right_logical3A_62 = arith.constant 16 : i32
      %shift_right_logical3A_63 = vector.broadcast %shift_right_logical3A_62 : i32 to vector<128x384xi32>
      %shift_right_logical3A_64 = arith.shrui %get3A_56, %shift_right_logical3A_63 : vector<128x384xi32>
      %convert_element_type3A_65 = arith.trunci %shift_right_logical3A_64 : vector<128x384xi32> to vector<128x384xi16>
      %bitcast_convert_type3A_66 = tpu.bitcast %convert_element_type3A_65 : vector<128x384xi16> -> vector<128x384xbf16>
      %concatenate3A_67 = tpu.concatenate %bitcast_convert_type3A_61, %bitcast_convert_type3A_66 in 1 : vector<128x384xbf16>, vector<128x384xbf16> -> vector<128x768xbf16>
      %get3A_68 = arith.constant 1 : index
      %get3A_69 = arith.constant 0 : index
      %get3A_70 = arith.constant 0 : index
      %get3A_71 = vector.load %arg2[%get3A_68, %get3A_69, %get3A_70] : memref<2x768x768xf32, #tpu.memory_space<vmem>>, vector<1x768x768xf32>
      %get3A_72 = vector.shape_cast %get3A_71 : vector<1x768x768xf32> to vector<768x768xf32>
      %convert_element_type3A_73 = arith.truncf %get3A_72 : vector<768x768xf32> to vector<768x768xbf16>
      %get3A_74 = arith.index_cast %min3A_53 : i32 to index
      %get3A_75 = arith.constant 0 : index
      %get3A_76 = vector.load %arg3[%get3A_74, %get3A_75] : memref<64x768xf32, #tpu.memory_space<vmem>>, vector<1x768xf32>
      %dot_general3A_77 = arith.constant dense<0.000000e+00> : vector<128x768xf32>
      %dot_general3A_78 = tpu.matmul %concatenate3A_67, %convert_element_type3A_73, %dot_general3A_77 {dimension_numbers = #tpu.dot_dimension_numbers<[1], [0], [0], [1], [0, 0, 1, 1], [], []>, transpose_lhs_hint = false} : vector<128x768xbf16>, vector<768x768xbf16>, vector<128x768xf32> -> vector<128x768xf32>
      %add3A_79 = vector.broadcast %get3A_76 : vector<1x768xf32> to vector<128x768xf32>
      %add3A_80 = arith.addf %dot_general3A_78, %add3A_79 : vector<128x768xf32>
      %max3A_81 = arith.constant 0.000000e+00 : f32
      %max3A_82 = vector.broadcast %max3A_81 : f32 to vector<128x768xf32>
      %max3A_83 = arith.maximumf %add3A_80, %max3A_82 : vector<128x768xf32>
      %get3A_84 = arith.constant 1 : index
      %get3A_85 = arith.constant 0 : index
      %get3A_86 = arith.constant 0 : index
      %get3A_87 = vector.load %arg4[%get3A_84, %get3A_85, %get3A_86] : memref<2x768x768xf32, #tpu.memory_space<vmem>>, vector<1x768x768xf32>
      %get3A_88 = vector.shape_cast %get3A_87 : vector<1x768x768xf32> to vector<768x768xf32>
      %convert_element_type3A_89 = arith.truncf %get3A_88 : vector<768x768xf32> to vector<768x768xbf16>
      %get3A_90 = arith.index_cast %min3A_53 : i32 to index
      %get3A_91 = arith.constant 0 : index
      %get3A_92 = vector.load %arg5[%get3A_90, %get3A_91] : memref<64x768xf32, #tpu.memory_space<vmem>>, vector<1x768xf32>
      %convert_element_type3A_93 = arith.truncf %max3A_83 : vector<128x768xf32> to vector<128x768xbf16>
      %dot_general3A_94 = arith.constant dense<0.000000e+00> : vector<128x768xf32>
      %dot_general3A_95 = tpu.matmul %convert_element_type3A_93, %convert_element_type3A_89, %dot_general3A_94 {dimension_numbers = #tpu.dot_dimension_numbers<[1], [0], [0], [1], [0, 0, 1, 1], [], []>, transpose_lhs_hint = false} : vector<128x768xbf16>, vector<768x768xbf16>, vector<128x768xf32> -> vector<128x768xf32>
      %add3A_96 = vector.broadcast %get3A_92 : vector<1x768xf32> to vector<128x768xf32>
      %add3A_97 = arith.addf %dot_general3A_95, %add3A_96 : vector<128x768xf32>
      %swap3A_98 = arith.constant 128 : index
      %swap3A_99 = arith.constant 0 : index
      %swap3A_100 = vector.load %arg6[%swap3A_98, %swap3A_99] : memref<256x768xf32, #tpu.memory_space<vmem>>, vector<128x768xf32>
      tpu.vector_store %arg6[%swap3A_98, %swap3A_99], %add3A_97 {strides = array<i32>} : memref<256x768xf32, #tpu.memory_space<vmem>>, vector<128x768xf32>,
    } else {
    }
    %eq3A = arith.constant 32 : i32
    %eq3A_2 = arith.cmpi eq, %arg0, %eq3A : i32
    %convert_element_type3A_3 = arith.extui %eq3A_2 : i1 to i32
    %cond3A_4 = arith.constant 0 : i32
    %cond3A_5 = arith.cmpi ne, %convert_element_type3A_3, %cond3A_4 : i32
    scf.if %cond3A_5 {
      %broadcast_in_dim3A = arith.constant 0.000000e+00 : f32
      %broadcast_in_dim3A_6 = vector.broadcast %broadcast_in_dim3A : f32 to vector<256x768xf32>
      %swap3A = arith.constant 0 : index
      %swap3A_7 = arith.constant 0 : index
      %swap3A_8 = vector.load %arg6[%swap3A, %swap3A_7] : memref<256x768xf32, #tpu.memory_space<vmem>>, vector<256x768xf32>
      tpu.vector_store %arg6[%swap3A, %swap3A_7], %broadcast_in_dim3A_6 {strides = array<i32>} : memref<256x768xf32, #tpu.memory_space<vmem>>, vector<256x768xf32>,
    } else {
    }
    return
  }
  func.func @transform_0(%arg0: i32) -> (i32, i32) {
    %c0_i32 = arith.constant 0 : i32
    %c0_i32_0 = arith.constant 0 : i32
    return %arg0, %c0_i32 : i32, i32
  }
  func.func @transform_1(%arg0: i32) -> (i32, i32, i32) {
    %min3A = arith.constant 31 : i32
    %min3A_0 = arith.minsi %arg0, %min3A : i32
    %c0_i32 = arith.constant 0 : i32
    %c0_i32_1 = arith.constant 0 : i32
    %c0_i32_2 = arith.constant 0 : i32
    return %min3A_0, %c0_i32, %c0_i32_1 : i32, i32, i32
  }
  func.func @transform_2(%arg0: i32) -> (i32, i32) {
    %c0_i32 = arith.constant 0 : i32
    %c0_i32_0 = arith.constant 0 : i32
    %c0_i32_1 = arith.constant 0 : i32
    return %c0_i32, %c0_i32_0 : i32, i32
  }
  func.func @transform_3(%arg0: i32) -> (i32, i32, i32) {
    %min3A = arith.constant 31 : i32
    %min3A_0 = arith.minsi %arg0, %min3A : i32
    %c0_i32 = arith.constant 0 : i32
    %c0_i32_1 = arith.constant 0 : i32
    %c0_i32_2 = arith.constant 0 : i32
    return %min3A_0, %c0_i32, %c0_i32_1 : i32, i32, i32
  }
  func.func @transform_4(%arg0: i32) -> (i32, i32) {
    %c0_i32 = arith.constant 0 : i32
    %c0_i32_0 = arith.constant 0 : i32
    %c0_i32_1 = arith.constant 0 : i32
    return %c0_i32, %c0_i32_0 : i32, i32
  }
  func.func @transform_5(%arg0: i32) -> (i32, i32) {
    %c0_i32 = arith.constant 0 : i32
    %c0_i32_0 = arith.constant 0 : i32
    return %arg0, %c0_i32 : i32, i32
  }
}

</mosaic_0001>

<sc_bundles>
// kernel: kernel.6.cloned.1.call-start
scs
__scs_entry_jumppad:
0x0: {  	(pc) =	sbr.rel $0x88, $3  }
0x1: {  	(tag) =	ssettag $0x0;
	lr =	simm.s32 $0x1  }
0x2: {  	[smem:$0x3F99] =	sst lr;
	_ =	strace $0xD0000000  }
0x3: {  	_ = 	snop  }
0x4: {  	_ = 	snop  }
0x5: {  	_ = 	snop  }
0x6: {  	_ = 	snop  }
0x7: {  	_ = 	snop  }
__scs_overlays_trampoline_lowered:
0x8: {  	[smem:$0x3FA8] =	sst s0  }
0x9: {  	[smem:$0x3FA9] =	sst s1  }
0xa: {  	[smem:$0x3FAA] =	sst s2  }
0xb: {  	[smem:$0x3FAB] =	sst s3  }
0xc: {  	[smem:$0x3FAC] =	sst s4  }
0xd: {  	[smem:$0x3FAD] =	sst s5  }
0xe: {  	[smem:$0x3FAE] =	sst s6  }
0xf: {  	[smem:$0x3FAF] =	sst s7  }
0x10: {  	[smem:$0x3FB0] =	sst s8  }
0x11: {  	[smem:$0x3FB1] =	sst s9;
	s0 =	simm.s32 @!p0 $0x0  }
0x12: {  	s1 =	sld [smem:$0x3F97];
	s0 =	simm.s32 @p0 $0x1  }
0x13: {  	[smem:$0x3FB2] =	sst s0;
	s0 =	simm.s32 @!p1 $0x0  }
0x14: {  	s2 =	sld [smem:$0x3F96];
	s0 =	simm.s32 @p1 $0x1  }
0x15: {  	[smem:$0x3FB3] =	sst s0;
	s0 =	simm.s32 @!p2 $0x0  }
0x16: {  	s3 =	sld [smem:$0x3FDB];
	s0 =	simm.s32 @p2 $0x1  }
0x17: {  	s4 =	simm.s32 $0x1BF5;
	[smem:$0x3FB5] =	sst s0  }
0x18: {  	s0 =	sld [smem:$0x3F98];
	_ =	swait.ge [sflag:s4], $0x0  }
0x19: {  	s7 =	sld [smem:$0x3F99]  }
0x1a: {  	s8 =	sadd.s32 $0xFFFFE003, lr  }
0x1b: {  	s9 =	sadd.s32 $0xFFFFFEF7, lr;
	s5 =	simm.s32 $0xFFFFFFFF;
	p2 =	slt.u32 s8, $0xFFFFF086  }
0x1c: {  	p1 =	slt.u32 s9, $0xF7A;
	s5 =	simm.s32 @!p2 $0x0  }
0x1d: {  	s5 =	simm.s32 @p1 $0x1;
	p0 =	seq.s32 s7, s2  }
0x1e: {  	s7 =	smul.u32 @!p0 $0xF7A, s2;
	p2 =	seq.s32 @!p0 s5, $0x0  }
0x1f: {  	s9 =	smul.u32 $0xF7A, s1;
	s8 =	simm.s32 @!p0 $0x1BF5;
	p2 =	por !p2, p0  }
0x20: {  	[sflag:s8] =	ssyncset.s32 @!p0 $0xFFFFF086;
	s6 =	sadd.s32 @!p0 s3, s7;
	s7 =	simm.s32 @!p0 $0x108  }
0x21: {  	s3 =	sadd.s32 s3, s9;
	s6 =	sadd.s32 @!p0 $0x88, s6;
	s7 =	simm.s32 @p2 $0x1082  }
0x22: {  	[simem:s7], [sflag:s8] =	dma.local @!p0 [hbm:s6], $0xF7A  }
0x23: {  	s9 =	sor.u32 $0xD0000000, s2;
	s6 =	simm.s32 $0x108;
	_ =	swait.ge @!p0 [sflag:s8], $0x0  }
0x24: {  	s3 =	sadd.s32 $0x88, s3;
	s6 =	simm.s32 @!p1 $0x1082;
	[sflag:s4] =	ssyncset.s32 $0xFFFFF086  }
0x25: {  	[simem:s6], [sflag:s4] =	dma.local [hbm:s3], $0xF7A  }
0x26: {  	[smem:$0x3F99] =	sst s1;
	(tag) =	ssettag s2;
	_ =	strace s9  }
0x27: {  	s1 =	sld [smem:$0x3FA9]  }
0x28: {  	s2 =	sld [smem:$0x3FAA]  }
0x29: {  	s4 =	sld [smem:$0x3FAC]  }
0x2a: {  	p0 =	seq.s32 s5, $0x0;
	s5 =	sld [smem:$0x3FAD]  }
0x2b: {  	s6 =	sld [smem:$0x3FAE]  }
0x2c: {  	s7 =	sld [smem:$0x3FAF]  }
0x2d: {  	s3 =	simm.s32 $0x108;
	s8 =	sld [smem:$0x3FB0]  }
0x2e: {  	s3 =	simm.s32 @!p0 $0x1082;
	s9 =	sld [smem:$0x3FB1]  }
0x2f: {  	lr =	sadd.s32 s0, s3;
	s0 =	sld [smem:$0x3FA8]  }
0x30: {  	s3 =	sld [smem:$0x3FAB]  }
0x31: {  	[smem:$0x3FB4] =	sst s10  }
0x32: {  	s10 =	sld [smem:$0x3FB2];
	_ =	sdelay $0x3  }
0x33: {  	p0 =	seq.s32 s10, $0x1;
	s10 =	sld [smem:$0x3FB4];
	_ =	sdelay $0x3  }
0x34: {  	[smem:$0x3FB4] =	sst s10  }
0x35: {  	s10 =	sld [smem:$0x3FB3];
	_ =	sdelay $0x3  }
0x36: {  	p1 =	seq.s32 s10, $0x1;
	s10 =	sld [smem:$0x3FB4];
	_ =	sdelay $0x3  }
0x37: {  	[smem:$0x3FB4] =	sst s10  }
0x38: {  	s10 =	sld [smem:$0x3FB5]  }
0x39: {  	_ = 	snop;
	(pc) =	sbr.ind lr, $3  }
0x3a: {  	_ = 	snop  }
0x3b: {  	_ = 	snop  }
0x3c: {  	p2 =	seq.s32 s10, $0x1;
	s10 =	sld [smem:$0x3FB4]  }
0x3d: {  	_ =	shalt  }
0x3e: {  	_ =	shalt  }
0x3f: {  	_ =	shalt  }
0x40: {  	_ =	shalt  }
0x41: {  	_ =	shalt  }
0x42: {  	_ =	shalt  }
0x43: {  	_ =	shalt  }
0x44: {  	_ =	shalt  }
0x45: {  	_ =	shalt  }
0x46: {  	_ =	shalt  }
0x47: {  	_ =	shalt  }
0x48: {  	_ =	shalt  }
0x49: {  	_ =	shalt  }
0x4a: {  	_ =	shalt  }
0x4b: {  	_ =	shalt  }
0x4c: {  	_ =	shalt  }
0x4d: {  	_ =	shalt  }
0x4e: {  	_ =	shalt  }
0x4f: {  	_ =	shalt  }
0x50: {  	_ =	shalt  }
0x51: {  	_ =	shalt  }
0x52: {  	_ =	shalt  }
0x53: {  	_ =	shalt  }
0x54: {  	_ =	shalt  }
0x55: {  	_ =	shalt  }
0x56: {  	_ =	shalt  }
0x57: {  	_ =	shalt  }
0x58: {  	_ =	shalt  }
0x59: {  	_ =	shalt  }
0x5a: {  	_ =	shalt  }
0x5b: {  	_ =	shalt  }
0x5c: {  	_ =	shalt  }
0x5d: {  	_ =	shalt  }
0x5e: {  	_ =	shalt  }
0x5f: {  	_ =	shalt  }
0x60: {  	_ =	shalt  }
0x61: {  	_ =	shalt  }
0x62: {  	_ =	shalt  }
0x63: {  	_ =	shalt  }
0x64: {  	_ =	shalt  }
0x65: {  	_ =	shalt  }
0x66: {  	_ =	shalt  }
0x67: {  	_ =	shalt  }
0x68: {  	_ =	shalt  }
0x69: {  	_ =	shalt  }
0x6a: {  	_ =	shalt  }
0x6b: {  	_ =	shalt  }
0x6c: {  	_ =	shalt  }
0x6d: {  	_ =	shalt  }
0x6e: {  	_ =	shalt  }
0x6f: {  	_ =	shalt  }
0x70: {  	_ =	shalt  }
0x71: {  	_ =	shalt  }
0x72: {  	_ =	shalt  }
0x73: {  	_ =	shalt  }
0x74: {  	_ =	shalt  }
0x75: {  	_ =	shalt  }
0x76: {  	_ =	shalt  }
0x77: {  	_ =	shalt  }
0x78: {  	_ =	shalt  }
0x79: {  	_ =	shalt  }
0x7a: {  	_ =	shalt  }
0x7b: {  	_ =	shalt  }
0x7c: {  	_ =	shalt  }
0x7d: {  	_ =	shalt  }
0x7e: {  	_ =	shalt  }
0x7f: {  	_ =	shalt  }
0x80: {  	_ =	shalt  }
0x81: {  	_ =	shalt  }
0x82: {  	_ =	shalt  }
0x83: {  	_ =	shalt  }
0x84: {  	_ =	shalt  }
0x85: {  	_ =	shalt  }
0x86: {  	_ =	shalt  }
0x87: {  	_ =	shalt  }
.Lfunc_end0:
.L_simem_size_0:
called_computation_lowered:
.L_overlay_start_0:
0x88: {  	s2 =	sld [smem:$0x3FD9]  }
0x89: {  	s3 =	sld [smem:$0x3FFE];
	_ =	sdelay $0x1  }
0x8a: {  	s1 =	srdreg.scid  }
0x8b: {  	s0 =	sand.u32 $0x1, s1  }
0x8c: {  	s17 =	sshll.u32 s0, $0xA;
	s2 =	sadd.s32 s3, s2  }
0x8d: {  	s2 =	sadd.s32 s2, s17  }
0x8e: {  	[smem:$0x3FC0] =	sst s2  }
0x8f: {  	_ = 	snop  }
0x90: {  	s2 =	sld [smem:$0x3FD0];
	(tm) =	ssettm $0x1  }
0x91: {  	s18 =	sld [smem:$0x3FFB];
	_ =	sdelay $0x3  }
0x92: {  	_ =	strace s18  }
0x93: {  	s3 =	sld [smem:$0x3FFC];
	_ =	sdelay $0x3  }
0x94: {  	_ =	strace s3  }
0x95: {  	s3 =	sld [smem:$0x3FFD];
	_ =	sdelay $0x3  }
0x96: {  	_ =	strace s3  }
0x97: {  	_ =	strace $0x8FFFFFFF  }
0x98: {  	s19 =	sld [smem:$0x3FDB];
	_ =	sdelay $0x1  }
0x99: {  	s4 =	simm.s32 $_scs_section_size  }
0x9a: {  	s5 =	simm.s32 $_size__tile_overlayer_lowered;
	s6 =	simm.s32 $_tile_overlayer_lowered  }
0x9b: {  	s22 =	simm.s32 $0x1BFF;
	s21 =	sshll.u32 s6, $0x1;
	s3 =	sadd.s32 s4, s19  }
0x9c: {  	s7 =	simm.s32 $0x0;
	s20 =	sshll.u32 s5, $0x1;
	s5 =	sadd.s32 s21, s3  }
0x9d: {  	[timem:s7], [sflag:s22] =	dma.local [hbm:s5], s20  }
0x9e: {  	_ =	swait.ge [sflag:s22], s20  }
0x9f: {  	s4 =	ssub.s32 $0x0, s20;
	[sflag:s22] =	ssyncset.done $0x0  }
0xa0: {  	[sflag:s22] =	ssyncadd.s32 s4;
	_ =	sdelay $0x1  }
0xa1: {  	s23 =	simm.s32 $0x1B8B  }
0xa2: {  	_ =	swait.ge [sflag:s23], $0x1  }
0xa3: {  	[sflag:s23] =	ssyncset.done $0x0  }
0xa4: {  	s25 =	simm.s32 $0x1B8E;
	s24 =	sld [smem:$0x3FFE];
	[sflag:s23] =	ssyncadd.s32 $0xFFFFFFFF  }
0xa5: {  	s26 =	simm.s32 $execute0_lowered;
	[smem:$0x3FD2] =	sst s25  }
0xa6: {  	s5 =	sshll.u32 s26, $0x1;
	_ =	strace $0x80000046;
	[dreg:$0x1] =	wrdreg $0xFFFFFFFF  }
0xa7: {  	s28 =	simm.s32 $_size_execute0_lowered;
	s3 =	sadd.s32 s3, s5;
	[dreg:$0x0] =	wrdreg $0x0  }
0xa8: {  	s5 =	sshll.u32 s28, $0x1;
	[dreg:$0x2] =	wrdreg s3  }
0xa9: {  	[dreg:$0x3] =	wrdreg s5  }
0xaa: {  	[dreg:$0x4] =	wrdreg $0xC0  }
0xab: {  	_ =	task [dreg:s7], $0x5FFFF  }
0xac: {  	[dreg:$0x1] =	wrdreg $0xFFFFFFFF  }
0xad: {  	[dreg:$0x0] =	wrdreg $0x60  }
0xae: {  	[dreg:$0x2] =	wrdreg s2  }
0xaf: {  	[dreg:$0x3] =	wrdreg s24  }
0xb0: {  	[dreg:$0x4] =	wrdreg $0x9  }
0xb1: {  	_ =	task.clear_ibuf [dreg:s7], $0x5FFFF;
	_ =	strace $0x90000046  }
0xb2: {  	s29 =	simm.s32 $0x9;
	_ =	strace $0x80000048  }
0xb3: {  	_ =	swait.ge [sflag:s29], $0x1  }
0xb4: {  	[sflag:s29] =	ssyncadd.s32 $0xFFFFFFFF  }
0xb5: {  	_ =	strace $0x90000048  }
0xb6: {  	_ =	sfence  }
0xb7: {  	s30 =	sld [smem:$0x0];
	_ =	sdelay $0x2  }
0xb8: {  	s31 =	sshll.u32 s1, $0xD;
	s1 =	sshrl.u32 s1, $0x2  }
0xb9: {  	s3 =	sand.u32 $0x4000, s31;
	s1 =	sadd.s32 s1, s30  }
0xba: {  	s0 =	sor.u32 s3, s0;
	s1 =	sshll.u32 s1, $0x11  }
0xbb: {  	s0 =	sor.u32 s1, s0  }
0xbc: {  	s0 =	sadd.s32 $0x8F2B, s0  }
0xbd: {  	[sflag:s0] =	ssyncadd.remote.s32 $0x1  }
0xbe: {  	_ =	sfence.sel $0xFFFF  }
0xbf: {  	[dreg:$0x0] =	wrdreg $0xFFFFFFFF;
	(pc) =	sbr.abs _section_cstart, $3  }
0xc0: {  	[dreg:$0x1] =	wrdreg $0xFFFFFFFF  }
0xc1: {  	_ =	task.clear_ibuf [dreg:s7], $0x2FFFF;
	_ =	strace $0x9FFFFFFF  }
0xc2: {  	(tm) =	ssettm $0x7FFFFFFF  }
0xc3: {  	_ =	shalt  }
tec
execute0_lowered:
.L_overlay_start_1:
0x0: {  	(tag) =	ssettag $0x1  }
0x1: {  	s1 =	srdreg.scid;
	s3 =	rddreg [dreg:$0x0]  }
0x2: {  	s0 =	stileid.u32;
	s4 =	rddreg [dreg:$0x1]  }
0x3: {  	s18 =	simm.s32 $0x880;
	s19 =	simm.s32 $0xC80;
	s20 =	simm.s32 $0x1480  }
0x4: {  	s21 =	simm.s32 $0x1880;
	s23 =	simm.s32 $0x2080;
	s24 =	simm.s32 $0x2480  }
0x5: {  	s25 =	simm.s32 $0x2C80;
	s26 =	simm.s32 $0x3080;
	s7 =	simm.s32 $0x80  }
0x6: {  	s9 =	simm.s32 $0x3C80;
	s1 =	sand.u32 $0x1, s1;
	s2 =	sshll.u32 s0, $0x1  }
0x7: {  	s10 =	simm.s32 $0x4480;
	s5 =	sor.u32 s1, s2;
	s2 =	simm.s32 $0x0  }
0x8: {  	s11 =	simm.s32 $0x4880;
	s12 =	simm.s32 $0x5080;
	[smem:$0x7FF] =	sst s2  }
0x9: {  	s13 =	simm.s32 $0x5480;
	_ =	strace $0x80000047;
	[dreg:$0x5] =	wrdreg s18  }
0xa: {  	s14 =	simm.s32 $0x5C80;
	s15 =	simm.s32 $0x6080;
	[dreg:$0x6] =	wrdreg s19  }
0xb: {  	s16 =	simm.s32 $0x6880;
	s17 =	simm.s32 $0x6C80;
	[dreg:$0x7] =	wrdreg s20  }
0xc: {  	s28 =	simm.s32 $0xA880;
	s29 =	simm.s32 $0xB080;
	[dreg:$0x8] =	wrdreg s21  }
0xd: {  	s30 =	simm.s32 $0xB480;
	s31 =	simm.s32 $0xBC80;
	[dreg:$0x9] =	wrdreg s23  }
0xe: {  	s1 =	ssub.s32 $0x2, s1;
	s6 =	sshll.u32 s5, $0x4;
	[dreg:$0xa] =	wrdreg s24  }
0xf: {  	s5 =	smul.u32 $0x1800, s5;
	s22 =	sshrl.u32 s1, $0x1;
	[dreg:$0xb] =	wrdreg s25  }
0x10: {  	s6 =	sadd.s32 s6, s4;
	s1 =	ssub.s32 s1, s22;
	[dreg:$0xc] =	wrdreg s26  }
0x11: {  	s18 =	simm.s32 $0x7480;
	s19 =	simm.s32 $0x7880;
	s20 =	simm.s32 $0x8080  }
0x12: {  	s21 =	simm.s32 $0x8480;
	s22 =	simm.s32 $0x8C80;
	s23 =	simm.s32 $0x9080  }
0x13: {  	s24 =	simm.s32 $0x9880;
	s25 =	simm.s32 $0x9C80;
	s6 =	sadd.s32 $0x1400, s6  }
0x14: {  	v2 =	vlaneseq.u32;
	s26 =	simm.s32 $0xA480;
	s3 =	sadd.s32 s3, s5;
	[dreg:$0x3] =	wrdreg s6  }
0x15: {  	vm0 =	vmmov $0xffff;
	vm1 =	vmmov $0xff;
	v1 =	vshrl.u32 v2, $0x3;
	s5 =	smax.u32 s1, $0x1;
	s1 =	simm.s32 $0x1;
	[dreg:$0x4] =	wrdreg s3  }
0x16: {  	v0 =	vand.u32 $0x7, v2;
	v2 =	vor.u32 $0x8, v2;
	v1 =	vmul.u32 $0x8, v1;
	s3 =	sadd.s32 $0x1600, s4;
	s4 =	sadd.s32 $0x1700, s4;
	s6 =	simm.s32 $0x2  }
.LBB2_1:
0x17: {  	s0 =	rddreg [dreg:$0x3]  }
0x18: {  	[tilespmem:s2], [sflag:$0x2] =	stream.linear.gather [hbm4b:s0+s2], $0x80, $0x38;
	[tilespmem:$0xC080] =	vst v63  }
0x19: {  	_ =	swait.ge [sflag:s6], $0x80  }
0x1a: {  	[sflag:s6] =	ssyncset.done $0x0  }
0x1b: {  	s8 =	rddreg [dreg:$0x4];
	[sflag:s6] =	ssyncadd.s32 $0xFFFFFF80  }
0x1c: {  	[tilespmem:s7], [sflag:$0x2] =	stream.linear.gather [hbm4b:s8+s2], $0xC000, $0x38;
	[tilespmem:$0xC080] =	vst v63  }
0x1d: {  	_ =	swait.ge [sflag:s6], $0xC000  }
0x1e: {  	[sflag:s6] =	ssyncset.done $0x0  }
0x1f: {  	[sflag:s6] =	ssyncadd.s32 $0xFFFF4000  }
0x20: {  	v3 =	vld [tilespmem:$0x0];
	_ =	sdelay $0x4  }
0x21: {  	v4 =	vshrl.u32 v3, $0x3  }
0x22: {  	v4 =	vmul.u32 $0x18, v4  }
0x23: {  	v3 =	vand.u32 $0x7, v3  }
0x24: {  	v3 =	vor.u32 v3, v4  }
0x25: {  	v4 =	vperm.xlane v3, v0;
	_ =	sdelay $0x1  }
0x26: {  	v4 =	vadd.s32 v1, v4;
	_ =	sdelay $0x1  }
0x27: {  	v3 =	vperm.xlane v3, v2;
	_ =	sdelay $0x1  }
0x28: {  	v3 =	vadd.s32 v1, v3  }
0x29: {  	[hbm4b:s3+s2] =	stream.indirect_vreg.scatter [tilespmem:s7], [sflag:$0x1], $0x80, v4, vm0, $0xb8;
	[tilespmem:$0xC080] =	vst v63  }
0x2a: {  	s0 =	rddreg [dreg:$0x5]  }
0x2b: {  	[hbm4b:s4+s2] =	stream.indirect_vreg.scatter [tilespmem:s0], [sflag:$0x1], $0x80, v4, vm1, $0xb8;
	[tilespmem:$0xC080] =	vst v63  }
0x2c: {  	s8 =	rddreg [dreg:$0x6]  }
0x2d: {  	[hbm4b:s3+s2] =	stream.indirect_vreg.scatter [tilespmem:s8], [sflag:$0x1], $0x80, v3, vm0, $0xb8;
	[tilespmem:$0xC080] =	vst v63  }
0x2e: {  	s0 =	rddreg [dreg:$0x7]  }
0x2f: {  	[hbm4b:s4+s2] =	stream.indirect_vreg.scatter [tilespmem:s0], [sflag:$0x1], $0x80, v3, vm1, $0xb8;
	[tilespmem:$0xC080] =	vst v63  }
0x30: {  	v3 =	vld [tilespmem:$0x10];
	_ =	sdelay $0x4  }
0x31: {  	v57 =	vshrl.u32 v3, $0x3  }
0x32: {  	v4 =	vmul.u32 $0x18, v57  }
0x33: {  	v3 =	vand.u32 $0x7, v3  }
0x34: {  	v3 =	vor.u32 v3, v4  }
0x35: {  	v4 =	vperm.xlane v3, v0;
	_ =	sdelay $0x1  }
0x36: {  	v4 =	vadd.s32 v1, v4;
	_ =	sdelay $0x1  }
0x37: {  	v3 =	vperm.xlane v3, v2;
	_ =	sdelay $0x1  }
0x38: {  	s0 =	rddreg [dreg:$0x8];
	v3 =	vadd.s32 v1, v3  }
0x39: {  	[hbm4b:s3+s2] =	stream.indirect_vreg.scatter [tilespmem:s0], [sflag:$0x1], $0x80, v4, vm0, $0xb8;
	[tilespmem:$0xC080] =	vst v63  }
0x3a: {  	s8 =	rddreg [dreg:$0x9]  }
0x3b: {  	[hbm4b:s4+s2] =	stream.indirect_vreg.scatter [tilespmem:s8], [sflag:$0x1], $0x80, v4, vm1, $0xb8;
	[tilespmem:$0xC080] =	vst v63  }
0x3c: {  	s0 =	rddreg [dreg:$0xa]  }
0x3d: {  	[hbm4b:s3+s2] =	stream.indirect_vreg.scatter [tilespmem:s0], [sflag:$0x1], $0x80, v3, vm0, $0xb8;
	[tilespmem:$0xC080] =	vst v63  }
0x3e: {  	s8 =	rddreg [dreg:$0xb]  }
0x3f: {  	[hbm4b:s4+s2] =	stream.indirect_vreg.scatter [tilespmem:s8], [sflag:$0x1], $0x80, v3, vm1, $0xb8;
	[tilespmem:$0xC080] =	vst v63  }
0x40: {  	v3 =	vld [tilespmem:$0x20];
	_ =	sdelay $0x4  }
0x41: {  	v58 =	vshrl.u32 v3, $0x3  }
0x42: {  	v4 =	vmul.u32 $0x18, v58  }
0x43: {  	v3 =	vand.u32 $0x7, v3  }
0x44: {  	v3 =	vor.u32 v3, v4  }
0x45: {  	v4 =	vperm.xlane v3, v0;
	_ =	sdelay $0x1  }
0x46: {  	v4 =	vadd.s32 v1, v4;
	_ =	sdelay $0x1  }
0x47: {  	v3 =	vperm.xlane v3, v2;
	_ =	sdelay $0x1  }
0x48: {  	s8 =	rddreg [dreg:$0xc];
	v3 =	vadd.s32 v1, v3  }
0x49: {  	[hbm4b:s3+s2] =	stream.indirect_vreg.scatter [tilespmem:s8], [sflag:$0x1], $0x80, v4, vm0, $0xb8;
	[tilespmem:$0xC080] =	vst v63  }
0x4a: {  	s8 =	simm.s32 $0x3880  }
0x4b: {  	[hbm4b:s4+s2] =	stream.indirect_vreg.scatter [tilespmem:s8], [sflag:$0x1], $0x80, v4, vm1, $0xb8;
	[tilespmem:$0xC080] =	vst v63  }
0x4c: {  	_ = 	snop  }
0x4d: {  	[hbm4b:s3+s2] =	stream.indirect_vreg.scatter [tilespmem:s9], [sflag:$0x1], $0x80, v3, vm0, $0xb8;
	[tilespmem:$0xC080] =	vst v63  }
0x4e: {  	_ = 	snop  }
0x4f: {  	[hbm4b:s4+s2] =	stream.indirect_vreg.scatter [tilespmem:s10], [sflag:$0x1], $0x80, v3, vm1, $0xb8;
	[tilespmem:$0xC080] =	vst v63  }
0x50: {  	v3 =	vld [tilespmem:$0x30];
	_ =	sdelay $0x4  }
0x51: {  	v59 =	vshrl.u32 v3, $0x3  }
0x52: {  	v4 =	vmul.u32 $0x18, v59  }
0x53: {  	v3 =	vand.u32 $0x7, v3  }
0x54: {  	v3 =	vor.u32 v3, v4  }
0x55: {  	v4 =	vperm.xlane v3, v0;
	_ =	sdelay $0x1  }
0x56: {  	v4 =	vadd.s32 v1, v4;
	_ =	sdelay $0x1  }
0x57: {  	v3 =	vperm.xlane v3, v2;
	_ =	sdelay $0x1  }
0x58: {  	v3 =	vadd.s32 v1, v3  }
0x59: {  	[hbm4b:s3+s2] =	stream.indirect_vreg.scatter [tilespmem:s11], [sflag:$0x1], $0x80, v4, vm0, $0xb8;
	[tilespmem:$0xC080] =	vst v63  }
0x5a: {  	_ = 	snop  }
0x5b: {  	[hbm4b:s4+s2] =	stream.indirect_vreg.scatter [tilespmem:s12], [sflag:$0x1], $0x80, v4, vm1, $0xb8;
	[tilespmem:$0xC080] =	vst v63  }
0x5c: {  	_ = 	snop  }
0x5d: {  	[hbm4b:s3+s2] =	stream.indirect_vreg.scatter [tilespmem:s13], [sflag:$0x1], $0x80, v3, vm0, $0xb8;
	[tilespmem:$0xC080] =	vst v63  }
0x5e: {  	_ = 	snop  }
0x5f: {  	[hbm4b:s4+s2] =	stream.indirect_vreg.scatter [tilespmem:s14], [sflag:$0x1], $0x80, v3, vm1, $0xb8;
	[tilespmem:$0xC080] =	vst v63  }
0x60: {  	v3 =	vld [tilespmem:$0x40];
	_ =	sdelay $0x4  }
0x61: {  	v60 =	vshrl.u32 v3, $0x3  }
0x62: {  	v4 =	vmul.u32 $0x18, v60  }
0x63: {  	v3 =	vand.u32 $0x7, v3  }
0x64: {  	v3 =	vor.u32 v3, v4  }
0x65: {  	v4 =	vperm.xlane v3, v0;
	_ =	sdelay $0x1  }
0x66: {  	v4 =	vadd.s32 v1, v4;
	_ =	sdelay $0x1  }
0x67: {  	v3 =	vperm.xlane v3, v2;
	_ =	sdelay $0x1  }
0x68: {  	v3 =	vadd.s32 v1, v3  }
0x69: {  	[hbm4b:s3+s2] =	stream.indirect_vreg.scatter [tilespmem:s15], [sflag:$0x1], $0x80, v4, vm0, $0xb8;
	[tilespmem:$0xC080] =	vst v63  }
0x6a: {  	_ = 	snop  }
0x6b: {  	[hbm4b:s4+s2] =	stream.indirect_vreg.scatter [tilespmem:s16], [sflag:$0x1], $0x80, v4, vm1, $0xb8;
	[tilespmem:$0xC080] =	vst v63  }
0x6c: {  	_ = 	snop  }
0x6d: {  	[hbm4b:s3+s2] =	stream.indirect_vreg.scatter [tilespmem:s17], [sflag:$0x1], $0x80, v3, vm0, $0xb8;
	[tilespmem:$0xC080] =	vst v63  }
0x6e: {  	_ = 	snop  }
0x6f: {  	[hbm4b:s4+s2] =	stream.indirect_vreg.scatter [tilespmem:s18], [sflag:$0x1], $0x80, v3, vm1, $0xb8;
	[tilespmem:$0xC080] =	vst v63  }
0x70: {  	v3 =	vld [tilespmem:$0x50];
	_ =	sdelay $0x4  }
0x71: {  	v61 =	vshrl.u32 v3, $0x3  }
0x72: {  	v4 =	vmul.u32 $0x18, v61  }
0x73: {  	v3 =	vand.u32 $0x7, v3  }
0x74: {  	v3 =	vor.u32 v3, v4  }
0x75: {  	v4 =	vperm.xlane v3, v0;
	_ =	sdelay $0x1  }
0x76: {  	v4 =	vadd.s32 v1, v4;
	_ =	sdelay $0x1  }
0x77: {  	v3 =	vperm.xlane v3, v2;
	_ =	sdelay $0x1  }
0x78: {  	v3 =	vadd.s32 v1, v3  }
0x79: {  	[hbm4b:s3+s2] =	stream.indirect_vreg.scatter [tilespmem:s19], [sflag:$0x1], $0x80, v4, vm0, $0xb8;
	[tilespmem:$0xC080] =	vst v63  }
0x7a: {  	_ = 	snop  }
0x7b: {  	[hbm4b:s4+s2] =	stream.indirect_vreg.scatter [tilespmem:s20], [sflag:$0x1], $0x80, v4, vm1, $0xb8;
	[tilespmem:$0xC080] =	vst v63  }
0x7c: {  	_ = 	snop  }
0x7d: {  	[hbm4b:s3+s2] =	stream.indirect_vreg.scatter [tilespmem:s21], [sflag:$0x1], $0x80, v3, vm0, $0xb8;
	[tilespmem:$0xC080] =	vst v63  }
0x7e: {  	_ = 	snop  }
0x7f: {  	[hbm4b:s4+s2] =	stream.indirect_vreg.scatter [tilespmem:s22], [sflag:$0x1], $0x80, v3, vm1, $0xb8;
	[tilespmem:$0xC080] =	vst v63  }
0x80: {  	v3 =	vld [tilespmem:$0x60];
	_ =	sdelay $0x4  }
0x81: {  	v62 =	vshrl.u32 v3, $0x3  }
0x82: {  	v4 =	vmul.u32 $0x18, v62  }
0x83: {  	v3 =	vand.u32 $0x7, v3  }
0x84: {  	v3 =	vor.u32 v3, v4  }
0x85: {  	v4 =	vperm.xlane v3, v0;
	_ =	sdelay $0x1  }
0x86: {  	v4 =	vadd.s32 v1, v4;
	_ =	sdelay $0x1  }
0x87: {  	v3 =	vperm.xlane v3, v2;
	_ =	sdelay $0x1  }
0x88: {  	v3 =	vadd.s32 v1, v3  }
0x89: {  	[hbm4b:s3+s2] =	stream.indirect_vreg.scatter [tilespmem:s23], [sflag:$0x1], $0x80, v4, vm0, $0xb8;
	[tilespmem:$0xC080] =	vst v63  }
0x8a: {  	_ = 	snop  }
0x8b: {  	[hbm4b:s4+s2] =	stream.indirect_vreg.scatter [tilespmem:s24], [sflag:$0x1], $0x80, v4, vm1, $0xb8;
	[tilespmem:$0xC080] =	vst v63  }
0x8c: {  	_ = 	snop  }
0x8d: {  	[hbm4b:s3+s2] =	stream.indirect_vreg.scatter [tilespmem:s25], [sflag:$0x1], $0x80, v3, vm0, $0xb8;
	[tilespmem:$0xC080] =	vst v63  }
0x8e: {  	_ = 	snop  }
0x8f: {  	[hbm4b:s4+s2] =	stream.indirect_vreg.scatter [tilespmem:s26], [sflag:$0x1], $0x80, v3, vm1, $0xb8;
	[tilespmem:$0xC080] =	vst v63  }
0x90: {  	v3 =	vld [tilespmem:$0x70];
	_ =	sdelay $0x4  }
0x91: {  	v63 =	vshrl.u32 v3, $0x3  }
0x92: {  	v4 =	vmul.u32 $0x18, v63  }
0x93: {  	v3 =	vand.u32 $0x7, v3  }
0x94: {  	v3 =	vor.u32 v3, v4  }
0x95: {  	v4 =	vperm.xlane v3, v0;
	_ =	sdelay $0x1  }
0x96: {  	v4 =	vadd.s32 v1, v4;
	_ =	sdelay $0x1  }
0x97: {  	v3 =	vperm.xlane v3, v2;
	_ =	sdelay $0x1  }
0x98: {  	v3 =	vadd.s32 v1, v3  }
0x99: {  	[hbm4b:s3+s2] =	stream.indirect_vreg.scatter [tilespmem:s28], [sflag:$0x1], $0x80, v4, vm0, $0xb8;
	[tilespmem:$0xC080] =	vst v63  }
0x9a: {  	_ = 	snop  }
0x9b: {  	[hbm4b:s4+s2] =	stream.indirect_vreg.scatter [tilespmem:s29], [sflag:$0x1], $0x80, v4, vm1, $0xb8;
	[tilespmem:$0xC080] =	vst v63  }
0x9c: {  	p0 =	sne.s32 s5, $0x1  }
0x9d: {  	[hbm4b:s3+s2] =	stream.indirect_vreg.scatter [tilespmem:s30], [sflag:$0x1], $0x80, v3, vm0, $0xb8;
	[tilespmem:$0xC080] =	vst v63  }
.Ltmp0:
0x9e: {  	_ = 	snop;
	(pc) =	sbr.rel @p0 .LBB2_1-.Ltmp0, $4  }
0x9f: {  	[hbm4b:s4+s2] =	stream.indirect_vreg.scatter [tilespmem:s31], [sflag:$0x1], $0x80, v3, vm1, $0xb8;
	[tilespmem:$0xC080] =	vst v63  }
0xa0: {  	_ =	swait.ge [sflag:s1], $0xC000  }
0xa1: {  	[sflag:s1] =	ssyncset.done $0x0  }
0xa2: {  	s5 =	sadd.s32 $0xFFFFFFFF, s5;
	[sflag:s1] =	ssyncadd.s32 $0xFFFF4000  }
0xa3: {  	_ =	sfence.sel $0x180000  }
0xa4: {  	[bflag:$0x0] =	sbarrier.arrive $0xFFFF  }
0xa5: {  	_ =	strace $0x90000047  }
0xa6: {  	s0 =	stileid.u32;
	[bflag:$0x2] =	sbarrier.arrive $0xFFFF  }
0xa7: {  	p0 =	sne.s32 s0, $0x0;
	s0 =	rddreg [dreg:$0x2]  }
0xa8: {  	s0 =	sadd.s32 @!p0 $0x100000, s0  }
0xa9: {  	[sflag:s0] =	ssyncadd.tile.s32 @!p0 $0x1;
	_ =	shalt  }
.Lfunc_end2:
_tile_overlayer_lowered:
.L_overlay_start_2:
0xaa: {  	(tag) =	ssettag $0x2  }
0xab: {  	s0 =	rddreg [dreg:$0x0];
	s2 =	stileid.u32  }
0xac: {  	s1 =	rddreg [dreg:$0x1];
	p0 =	sne.s32 s2, $0x0  }
0xad: {  	s3 =	rddreg [dreg:$0x2];
	[bflag:$0x3] =	sbarrier.arrive $0xFFFF;
	s2 =	simm.s32 @!p0 $0x1C02  }
0xae: {  	[timem:s3], [sflag:s2] =	dma.local @!p0 [hbm:s0], s1  }
0xaf: {  	s0 =	simm.s32 @!p0 $0x2  }
0xb0: {  	_ =	swait.ge @!p0 [sflag:s0], s1  }
0xb1: {  	s1 =	ssub.s32 @!p0 $0x0, s1;
	[sflag:s0] =	ssyncset.done @!p0 $0x0  }
0xb2: {  	[sflag:s0] =	ssyncadd.s32 @!p0 s1  }
0xb3: {  	[bflag:$0x3] =	sbarrier.arrive $0xFFFF  }
0xb4: {  	_ =	shalt  }

// kernel: kernel.9.cloned.1.call-start
scs
__scs_entry_jumppad:
0x0: {  	(pc) =	sbr.rel $0x88, $3  }
0x1: {  	(tag) =	ssettag $0x0;
	lr =	simm.s32 $0x1  }
0x2: {  	[smem:$0x3F99] =	sst lr;
	_ =	strace $0xD0000000  }
0x3: {  	_ = 	snop  }
0x4: {  	_ = 	snop  }
0x5: {  	_ = 	snop  }
0x6: {  	_ = 	snop  }
0x7: {  	_ = 	snop  }
__scs_overlays_trampoline_lowered:
0x8: {  	[smem:$0x3FA8] =	sst s0  }
0x9: {  	[smem:$0x3FA9] =	sst s1  }
0xa: {  	[smem:$0x3FAA] =	sst s2  }
0xb: {  	[smem:$0x3FAB] =	sst s3  }
0xc: {  	[smem:$0x3FAC] =	sst s4  }
0xd: {  	[smem:$0x3FAD] =	sst s5  }
0xe: {  	[smem:$0x3FAE] =	sst s6  }
0xf: {  	[smem:$0x3FAF] =	sst s7  }
0x10: {  	[smem:$0x3FB0] =	sst s8  }
0x11: {  	[smem:$0x3FB1] =	sst s9;
	s0 =	simm.s32 @!p0 $0x0  }
0x12: {  	s1 =	sld [smem:$0x3F97];
	s0 =	simm.s32 @p0 $0x1  }
0x13: {  	[smem:$0x3FB2] =	sst s0;
	s0 =	simm.s32 @!p1 $0x0  }
0x14: {  	s2 =	sld [smem:$0x3F96];
	s0 =	simm.s32 @p1 $0x1  }
0x15: {  	[smem:$0x3FB3] =	sst s0;
	s0 =	simm.s32 @!p2 $0x0  }
0x16: {  	s3 =	sld [smem:$0x3FDB];
	s0 =	simm.s32 @p2 $0x1  }
0x17: {  	s4 =	simm.s32 $0x1BF5;
	[smem:$0x3FB5] =	sst s0  }
0x18: {  	s0 =	sld [smem:$0x3F98];
	_ =	swait.ge [sflag:s4], $0x0  }
0x19: {  	s7 =	sld [smem:$0x3F99]  }
0x1a: {  	s8 =	sadd.s32 $0xFFFFE003, lr  }
0x1b: {  	s9 =	sadd.s32 $0xFFFFFEF7, lr;
	s5 =	simm.s32 $0xFFFFFFFF;
	p2 =	slt.u32 s8, $0xFFFFF086  }
0x1c: {  	p1 =	slt.u32 s9, $0xF7A;
	s5 =	simm.s32 @!p2 $0x0  }
0x1d: {  	s5 =	simm.s32 @p1 $0x1;
	p0 =	seq.s32 s7, s2  }
0x1e: {  	s7 =	smul.u32 @!p0 $0xF7A, s2;
	p2 =	seq.s32 @!p0 s5, $0x0  }
0x1f: {  	s9 =	smul.u32 $0xF7A, s1;
	s8 =	simm.s32 @!p0 $0x1BF5;
	p2 =	por !p2, p0  }
0x20: {  	[sflag:s8] =	ssyncset.s32 @!p0 $0xFFFFF086;
	s6 =	sadd.s32 @!p0 s3, s7;
	s7 =	simm.s32 @!p0 $0x108  }
0x21: {  	s3 =	sadd.s32 s3, s9;
	s6 =	sadd.s32 @!p0 $0x88, s6;
	s7 =	simm.s32 @p2 $0x1082  }
0x22: {  	[simem:s7], [sflag:s8] =	dma.local @!p0 [hbm:s6], $0xF7A  }
0x23: {  	s9 =	sor.u32 $0xD0000000, s2;
	s6 =	simm.s32 $0x108;
	_ =	swait.ge @!p0 [sflag:s8], $0x0  }
0x24: {  	s3 =	sadd.s32 $0x88, s3;
	s6 =	simm.s32 @!p1 $0x1082;
	[sflag:s4] =	ssyncset.s32 $0xFFFFF086  }
0x25: {  	[simem:s6], [sflag:s4] =	dma.local [hbm:s3], $0xF7A  }
0x26: {  	[smem:$0x3F99] =	sst s1;
	(tag) =	ssettag s2;
	_ =	strace s9  }
0x27: {  	s1 =	sld [smem:$0x3FA9]  }
0x28: {  	s2 =	sld [smem:$0x3FAA]  }
0x29: {  	s4 =	sld [smem:$0x3FAC]  }
0x2a: {  	p0 =	seq.s32 s5, $0x0;
	s5 =	sld [smem:$0x3FAD]  }
0x2b: {  	s6 =	sld [smem:$0x3FAE]  }
0x2c: {  	s7 =	sld [smem:$0x3FAF]  }
0x2d: {  	s3 =	simm.s32 $0x108;
	s8 =	sld [smem:$0x3FB0]  }
0x2e: {  	s3 =	simm.s32 @!p0 $0x1082;
	s9 =	sld [smem:$0x3FB1]  }
0x2f: {  	lr =	sadd.s32 s0, s3;
	s0 =	sld [smem:$0x3FA8]  }
0x30: {  	s3 =	sld [smem:$0x3FAB]  }
0x31: {  	[smem:$0x3FB4] =	sst s10  }
0x32: {  	s10 =	sld [smem:$0x3FB2];
	_ =	sdelay $0x3  }
0x33: {  	p0 =	seq.s32 s10, $0x1;
	s10 =	sld [smem:$0x3FB4];
	_ =	sdelay $0x3  }
0x34: {  	[smem:$0x3FB4] =	sst s10  }
0x35: {  	s10 =	sld [smem:$0x3FB3];
	_ =	sdelay $0x3  }
0x36: {  	p1 =	seq.s32 s10, $0x1;
	s10 =	sld [smem:$0x3FB4];
	_ =	sdelay $0x3  }
0x37: {  	[smem:$0x3FB4] =	sst s10  }
0x38: {  	s10 =	sld [smem:$0x3FB5]  }
0x39: {  	_ = 	snop;
	(pc) =	sbr.ind lr, $3  }
0x3a: {  	_ = 	snop  }
0x3b: {  	_ = 	snop  }
0x3c: {  	p2 =	seq.s32 s10, $0x1;
	s10 =	sld [smem:$0x3FB4]  }
0x3d: {  	_ =	shalt  }
0x3e: {  	_ =	shalt  }
0x3f: {  	_ =	shalt  }
0x40: {  	_ =	shalt  }
0x41: {  	_ =	shalt  }
0x42: {  	_ =	shalt  }
0x43: {  	_ =	shalt  }
0x44: {  	_ =	shalt  }
0x45: {  	_ =	shalt  }
0x46: {  	_ =	shalt  }
0x47: {  	_ =	shalt  }
0x48: {  	_ =	shalt  }
0x49: {  	_ =	shalt  }
0x4a: {  	_ =	shalt  }
0x4b: {  	_ =	shalt  }
0x4c: {  	_ =	shalt  }
0x4d: {  	_ =	shalt  }
0x4e: {  	_ =	shalt  }
0x4f: {  	_ =	shalt  }
0x50: {  	_ =	shalt  }
0x51: {  	_ =	shalt  }
0x52: {  	_ =	shalt  }
0x53: {  	_ =	shalt  }
0x54: {  	_ =	shalt  }
0x55: {  	_ =	shalt  }
0x56: {  	_ =	shalt  }
0x57: {  	_ =	shalt  }
0x58: {  	_ =	shalt  }
0x59: {  	_ =	shalt  }
0x5a: {  	_ =	shalt  }
0x5b: {  	_ =	shalt  }
0x5c: {  	_ =	shalt  }
0x5d: {  	_ =	shalt  }
0x5e: {  	_ =	shalt  }
0x5f: {  	_ =	shalt  }
0x60: {  	_ =	shalt  }
0x61: {  	_ =	shalt  }
0x62: {  	_ =	shalt  }
0x63: {  	_ =	shalt  }
0x64: {  	_ =	shalt  }
0x65: {  	_ =	shalt  }
0x66: {  	_ =	shalt  }
0x67: {  	_ =	shalt  }
0x68: {  	_ =	shalt  }
0x69: {  	_ =	shalt  }
0x6a: {  	_ =	shalt  }
0x6b: {  	_ =	shalt  }
0x6c: {  	_ =	shalt  }
0x6d: {  	_ =	shalt  }
0x6e: {  	_ =	shalt  }
0x6f: {  	_ =	shalt  }
0x70: {  	_ =	shalt  }
0x71: {  	_ =	shalt  }
0x72: {  	_ =	shalt  }
0x73: {  	_ =	shalt  }
0x74: {  	_ =	shalt  }
0x75: {  	_ =	shalt  }
0x76: {  	_ =	shalt  }
0x77: {  	_ =	shalt  }
0x78: {  	_ =	shalt  }
0x79: {  	_ =	shalt  }
0x7a: {  	_ =	shalt  }
0x7b: {  	_ =	shalt  }
0x7c: {  	_ =	shalt  }
0x7d: {  	_ =	shalt  }
0x7e: {  	_ =	shalt  }
0x7f: {  	_ =	shalt  }
0x80: {  	_ =	shalt  }
0x81: {  	_ =	shalt  }
0x82: {  	_ =	shalt  }
0x83: {  	_ =	shalt  }
0x84: {  	_ =	shalt  }
0x85: {  	_ =	shalt  }
0x86: {  	_ =	shalt  }
0x87: {  	_ =	shalt  }
.Lfunc_end0:
.L_simem_size_0:
called_computation.1_lowered:
.L_overlay_start_0:
0x88: {  	s2 =	sld [smem:$0x3FD9]  }
0x89: {  	s3 =	sld [smem:$0x3FFE];
	_ =	sdelay $0x1  }
0x8a: {  	s1 =	srdreg.scid  }
0x8b: {  	s0 =	sand.u32 $0x1, s1  }
0x8c: {  	s17 =	sshll.u32 s0, $0xA;
	s2 =	sadd.s32 s3, s2  }
0x8d: {  	s2 =	sadd.s32 s2, s17  }
0x8e: {  	[smem:$0x3FC0] =	sst s2  }
0x8f: {  	_ = 	snop  }
0x90: {  	s2 =	sld [smem:$0x3FD0];
	(tm) =	ssettm $0x1  }
0x91: {  	s18 =	sld [smem:$0x3FFB];
	_ =	sdelay $0x3  }
0x92: {  	_ =	strace s18  }
0x93: {  	s3 =	sld [smem:$0x3FFC];
	_ =	sdelay $0x3  }
0x94: {  	_ =	strace s3  }
0x95: {  	s3 =	sld [smem:$0x3FFD];
	_ =	sdelay $0x3  }
0x96: {  	_ =	strace s3  }
0x97: {  	_ =	strace $0x8FFFFFFF  }
0x98: {  	s19 =	sld [smem:$0x3FDB];
	_ =	sdelay $0x1  }
0x99: {  	s4 =	simm.s32 $_scs_section_size  }
0x9a: {  	s5 =	simm.s32 $_size__tile_overlayer_lowered;
	s6 =	simm.s32 $_tile_overlayer_lowered  }
0x9b: {  	s22 =	simm.s32 $0x1BFF;
	s21 =	sshll.u32 s6, $0x1;
	s3 =	sadd.s32 s4, s19  }
0x9c: {  	s7 =	simm.s32 $0x0;
	s20 =	sshll.u32 s5, $0x1;
	s5 =	sadd.s32 s21, s3  }
0x9d: {  	[timem:s7], [sflag:s22] =	dma.local [hbm:s5], s20  }
0x9e: {  	_ =	swait.ge [sflag:s22], s20  }
0x9f: {  	s4 =	ssub.s32 $0x0, s20;
	[sflag:s22] =	ssyncset.done $0x0  }
0xa0: {  	[sflag:s22] =	ssyncadd.s32 s4;
	_ =	sdelay $0x1  }
0xa1: {  	s23 =	simm.s32 $0x1B8B  }
0xa2: {  	_ =	swait.ge [sflag:s23], $0x1  }
0xa3: {  	[sflag:s23] =	ssyncset.done $0x0  }
0xa4: {  	s25 =	simm.s32 $0x1B8E;
	s24 =	sld [smem:$0x3FFE];
	[sflag:s23] =	ssyncadd.s32 $0xFFFFFFFF  }
0xa5: {  	s26 =	simm.s32 $execute0_lowered;
	[smem:$0x3FD2] =	sst s25  }
0xa6: {  	s5 =	sshll.u32 s26, $0x1;
	_ =	strace $0x80000049;
	[dreg:$0x1] =	wrdreg $0xFFFFFFFF  }
0xa7: {  	s28 =	simm.s32 $_size_execute0_lowered;
	s3 =	sadd.s32 s3, s5;
	[dreg:$0x0] =	wrdreg $0x0  }
0xa8: {  	s5 =	sshll.u32 s28, $0x1;
	[dreg:$0x2] =	wrdreg s3  }
0xa9: {  	[dreg:$0x3] =	wrdreg s5  }
0xaa: {  	[dreg:$0x4] =	wrdreg $0xC0  }
0xab: {  	_ =	task [dreg:s7], $0x5FFFF  }
0xac: {  	[dreg:$0x1] =	wrdreg $0xFFFFFFFF  }
0xad: {  	[dreg:$0x0] =	wrdreg $0x60  }
0xae: {  	[dreg:$0x2] =	wrdreg s24  }
0xaf: {  	[dreg:$0x3] =	wrdreg s2  }
0xb0: {  	[dreg:$0x4] =	wrdreg $0x9  }
0xb1: {  	_ =	task.clear_ibuf [dreg:s7], $0x5FFFF;
	_ =	strace $0x90000049  }
0xb2: {  	s29 =	simm.s32 $0x9;
	_ =	strace $0x8000004B  }
0xb3: {  	_ =	swait.ge [sflag:s29], $0x1  }
0xb4: {  	[sflag:s29] =	ssyncadd.s32 $0xFFFFFFFF  }
0xb5: {  	_ =	strace $0x9000004B  }
0xb6: {  	_ =	sfence  }
0xb7: {  	s30 =	sld [smem:$0x0];
	_ =	sdelay $0x2  }
0xb8: {  	s31 =	sshll.u32 s1, $0xD;
	s1 =	sshrl.u32 s1, $0x2  }
0xb9: {  	s3 =	sand.u32 $0x4000, s31;
	s1 =	sadd.s32 s1, s30  }
0xba: {  	s0 =	sor.u32 s3, s0;
	s1 =	sshll.u32 s1, $0x11  }
0xbb: {  	s0 =	sor.u32 s1, s0  }
0xbc: {  	s0 =	sadd.s32 $0x8F2B, s0  }
0xbd: {  	[sflag:s0] =	ssyncadd.remote.s32 $0x1  }
0xbe: {  	_ =	sfence.sel $0xFFFF  }
0xbf: {  	[dreg:$0x0] =	wrdreg $0xFFFFFFFF;
	(pc) =	sbr.abs _section_cstart, $3  }
0xc0: {  	[dreg:$0x1] =	wrdreg $0xFFFFFFFF  }
0xc1: {  	_ =	task.clear_ibuf [dreg:s7], $0x2FFFF;
	_ =	strace $0x9FFFFFFF  }
0xc2: {  	(tm) =	ssettm $0x7FFFFFFF  }
0xc3: {  	_ =	shalt  }
tec
execute0_lowered:
.L_overlay_start_1:
0x0: {  	(tag) =	ssettag $0x1  }
0x1: {  	s1 =	rddreg [dreg:$0x0];
	s2 =	srdreg.scid  }
0x2: {  	s3 =	rddreg [dreg:$0x1];
	s4 =	sand.u32 $0x1, s2;
	s2 =	simm.s32 $0x0  }
0x3: {  	s21 =	simm.s32 $0x880;
	[smem:$0x7FF] =	sst s2  }
0x4: {  	s22 =	simm.s32 $0x1080;
	_ =	strace $0x8000004A;
	[dreg:$0x6] =	wrdreg s21  }
0x5: {  	s23 =	simm.s32 $0x1880;
	[dreg:$0x7] =	wrdreg s22  }
0x6: {  	s24 =	simm.s32 $0x2080;
	[dreg:$0x8] =	wrdreg s23  }
0x7: {  	s25 =	simm.s32 $0x2880;
	[dreg:$0x9] =	wrdreg s24  }
0x8: {  	s0 =	stileid.u32;
	s26 =	simm.s32 $0x3080;
	[dreg:$0xa] =	wrdreg s25  }
0x9: {  	s20 =	sshll.u32 s0, $0x1;
	s0 =	simm.s32 $0x3880;
	[dreg:$0xb] =	wrdreg s26  }
0xa: {  	s8 =	simm.s32 $0x5880;
	[dreg:$0xc] =	wrdreg s0  }
0xb: {  	s9 =	simm.s32 $0x6080;
	[dreg:$0x10] =	wrdreg s8  }
0xc: {  	s10 =	simm.s32 $0x6880;
	[dreg:$0x11] =	wrdreg s9  }
0xd: {  	s11 =	simm.s32 $0x7080;
	s12 =	simm.s32 $0x7880;
	[dreg:$0x12] =	wrdreg s10  }
0xe: {  	s13 =	simm.s32 $0x8080;
	s14 =	simm.s32 $0x8880;
	[dreg:$0x13] =	wrdreg s11  }
0xf: {  	s15 =	simm.s32 $0x9080;
	s16 =	simm.s32 $0x9880;
	[dreg:$0x14] =	wrdreg s12  }
0x10: {  	s17 =	simm.s32 $0xA080;
	s18 =	simm.s32 $0xA880;
	[dreg:$0x15] =	wrdreg s13  }
0x11: {  	s28 =	simm.s32 $0x17880;
	s29 =	simm.s32 $0x1;
	[dreg:$0x16] =	wrdreg s14  }
0x12: {  	s30 =	simm.s32 $0x2;
	s31 =	simm.s32 $0x3;
	[dreg:$0x17] =	wrdreg s15  }
0x13: {  	s5 =	sor.u32 s4, s20;
	s4 =	ssub.s32 $0x2, s4;
	[dreg:$0x18] =	wrdreg s16  }
0x14: {  	s20 =	simm.s32 $0xB080;
	s7 =	smul.u32 $0x18000, s5;
	[dreg:$0x19] =	wrdreg s17  }
0x15: {  	s6 =	sshll.u32 s5, $0x4;
	s5 =	smul.u32 $0x3000, s5;
	[dreg:$0x1a] =	wrdreg s18  }
0x16: {  	s19 =	sshrl.u32 s4, $0x1;
	[dreg:$0x1b] =	wrdreg s20;
	s21 =	simm.s32 $0xB880  }
0x17: {  	s22 =	simm.s32 $0xC880;
	s23 =	simm.s32 $0xD080;
	s24 =	simm.s32 $0xD880  }
0x18: {  	s25 =	simm.s32 $0xE080;
	s8 =	simm.s32 $0x80;
	s26 =	simm.s32 $0xE880  }
0x19: {  	s9 =	simm.s32 $0xC080;
	s11 =	simm.s32 $0xF880;
	[dreg:$0x1c] =	wrdreg s21  }
0x1a: {  	s12 =	simm.s32 $0x10080;
	s13 =	simm.s32 $0x10880;
	[dreg:$0x1d] =	wrdreg s22  }
0x1b: {  	s14 =	simm.s32 $0x11080;
	s15 =	simm.s32 $0x11880;
	[dreg:$0x1e] =	wrdreg s23  }
0x1c: {  	s16 =	simm.s32 $0x12080;
	s17 =	simm.s32 $0x12880;
	[dreg:$0x1f] =	wrdreg s24  }
0x1d: {  	s18 =	simm.s32 $0x13080;
	s20 =	simm.s32 $0x14080;
	[smem:$0x7FC] =	sst s25  }
0x1e: {  	s6 =	sadd.s32 s6, s1;
	[smem:$0x7FD] =	sst s26;
	s21 =	simm.s32 $0x14880  }
0x1f: {  	s22 =	simm.s32 $0x15080;
	s23 =	simm.s32 $0x15880;
	s6 =	sadd.s32 $0x1400, s6  }
0x20: {  	s24 =	simm.s32 $0x16080;
	s5 =	sadd.s32 s3, s5;
	[dreg:$0x3] =	wrdreg s6  }
0x21: {  	s25 =	simm.s32 $0x16880;
	[dreg:$0x4] =	wrdreg s5;
	s5 =	simm.s32 $0x4080  }
0x22: {  	s7 =	sshrl.u32 s7, $0x3;
	s6 =	simm.s32 $0x4880;
	[dreg:$0xd] =	wrdreg s5  }
0x23: {  	s3 =	sadd.s32 s3, s7;
	s7 =	simm.s32 $0x5080;
	[dreg:$0xe] =	wrdreg s6  }
0x24: {  	s26 =	simm.s32 $0x17080;
	s3 =	sadd.s32 $0x1800, s3;
	[dreg:$0xf] =	wrdreg s7  }
0x25: {  	v2 =	vlaneseq.u32;
	s6 =	ssub.s32 s4, s19;
	s4 =	sadd.s32 $0x1700, s1;
	s5 =	sadd.s32 $0x1800, s1  }
0x26: {  	vm0 =	vmmov $0xffff;
	v1 =	vshrl.u32 v2, $0x3;
	s7 =	simm.s32 $0x5;
	s19 =	simm.s32 $0x13880;
	[dreg:$0x5] =	wrdreg s3  }
0x27: {  	v0 =	vand.u32 $0x7, v2;
	v2 =	vor.u32 $0x8, v2;
	v1 =	vmul.u32 $0x8, v1;
	s3 =	sadd.s32 $0x1600, s1;
	s6 =	smax.u32 s6, $0x1;
	s1 =	simm.s32 $0x4  }
.LBB2_1:
0x28: {  	s0 =	rddreg [dreg:$0x3]  }
0x29: {  	[tilespmem:s2], [sflag:$0x5] =	stream.linear.gather [hbm4b:s0+s2], $0x80, $0x38;
	[tilespmem:$0x18080] =	vst v63  }
0x2a: {  	_ =	swait.ge [sflag:s7], $0x80  }
0x2b: {  	[sflag:s7] =	ssyncset.done $0x0  }
0x2c: {  	[sflag:s7] =	ssyncadd.s32 $0xFFFFFF80  }
0x2d: {  	v3 =	vld [tilespmem:$0x0];
	_ =	sdelay $0x4  }
0x2e: {  	v4 =	vshrl.u32 v3, $0x3  }
0x2f: {  	v4 =	vmul.u32 $0x30, v4  }
0x30: {  	v3 =	vand.u32 $0x7, v3  }
0x31: {  	v3 =	vor.u32 v3, v4  }
0x32: {  	v4 =	vperm.xlane v3, v0;
	_ =	sdelay $0x1  }
0x33: {  	v4 =	vadd.s32 v1, v4;
	_ =	sdelay $0x3  }
0x34: {  	v3 =	vperm.xlane v3, v2  }
0x35: {  	[tilespmem:s8], [sflag:$0x1] =	stream.indirect_vreg.gather [hbm4b:s3+s2], $0x80, v4, vm0, $0xb8;
	[tilespmem:$0x18080] =	vst v63  }
0x36: {  	s0 =	rddreg [dreg:$0x6];
	v3 =	vadd.s32 v1, v3  }
0x37: {  	[tilespmem:s0], [sflag:$0x1] =	stream.indirect_vreg.gather [hbm4b:s4+s2], $0x80, v4, vm0, $0xb8;
	[tilespmem:$0x18080] =	vst v63  }
0x38: {  	s10 =	rddreg [dreg:$0x7]  }
0x39: {  	[tilespmem:s10], [sflag:$0x1] =	stream.indirect_vreg.gather [hbm4b:s5+s2], $0x80, v4, vm0, $0xb8;
	[tilespmem:$0x18080] =	vst v63  }
0x3a: {  	s0 =	rddreg [dreg:$0x8]  }
0x3b: {  	[tilespmem:s0], [sflag:$0x1] =	stream.indirect_vreg.gather [hbm4b:s3+s2], $0x80, v3, vm0, $0xb8;
	[tilespmem:$0x18080] =	vst v63  }
0x3c: {  	s10 =	rddreg [dreg:$0x9]  }
0x3d: {  	[tilespmem:s10], [sflag:$0x1] =	stream.indirect_vreg.gather [hbm4b:s4+s2], $0x80, v3, vm0, $0xb8;
	[tilespmem:$0x18080] =	vst v63  }
0x3e: {  	s0 =	rddreg [dreg:$0xa]  }
0x3f: {  	[tilespmem:s0], [sflag:$0x1] =	stream.indirect_vreg.gather [hbm4b:s5+s2], $0x80, v3, vm0, $0xb8;
	[tilespmem:$0x18080] =	vst v63  }
0x40: {  	v3 =	vld [tilespmem:$0x10];
	_ =	sdelay $0x4  }
0x41: {  	v57 =	vshrl.u32 v3, $0x3  }
0x42: {  	v4 =	vmul.u32 $0x30, v57  }
0x43: {  	v3 =	vand.u32 $0x7, v3  }
0x44: {  	v3 =	vor.u32 v3, v4  }
0x45: {  	v4 =	vperm.xlane v3, v0;
	_ =	sdelay $0x1  }
0x46: {  	v4 =	vadd.s32 v1, v4;
	_ =	sdelay $0x3  }
0x47: {  	s0 =	rddreg [dreg:$0xb];
	v3 =	vperm.xlane v3, v2  }
0x48: {  	[tilespmem:s0], [sflag:$0x1] =	stream.indirect_vreg.gather [hbm4b:s3+s2], $0x80, v4, vm0, $0xb8;
	[tilespmem:$0x18080] =	vst v63  }
0x49: {  	s10 =	rddreg [dreg:$0xc];
	v3 =	vadd.s32 v1, v3  }
0x4a: {  	[tilespmem:s10], [sflag:$0x1] =	stream.indirect_vreg.gather [hbm4b:s4+s2], $0x80, v4, vm0, $0xb8;
	[tilespmem:$0x18080] =	vst v63  }
0x4b: {  	s0 =	rddreg [dreg:$0xd]  }
0x4c: {  	[tilespmem:s0], [sflag:$0x1] =	stream.indirect_vreg.gather [hbm4b:s5+s2], $0x80, v4, vm0, $0xb8;
	[tilespmem:$0x18080] =	vst v63  }
0x4d: {  	s10 =	rddreg [dreg:$0xe]  }
0x4e: {  	[tilespmem:s10], [sflag:$0x1] =	stream.indirect_vreg.gather [hbm4b:s3+s2], $0x80, v3, vm0, $0xb8;
	[tilespmem:$0x18080] =	vst v63  }
0x4f: {  	s0 =	rddreg [dreg:$0xf]  }
0x50: {  	[tilespmem:s0], [sflag:$0x1] =	stream.indirect_vreg.gather [hbm4b:s4+s2], $0x80, v3, vm0, $0xb8;
	[tilespmem:$0x18080] =	vst v63  }
0x51: {  	s10 =	rddreg [dreg:$0x10]  }
0x52: {  	[tilespmem:s10], [sflag:$0x1] =	stream.indirect_vreg.gather [hbm4b:s5+s2], $0x80, v3, vm0, $0xb8;
	[tilespmem:$0x18080] =	vst v63  }
0x53: {  	v3 =	vld [tilespmem:$0x20];
	_ =	sdelay $0x4  }
0x54: {  	v58 =	vshrl.u32 v3, $0x3  }
0x55: {  	v4 =	vmul.u32 $0x30, v58  }
0x56: {  	v3 =	vand.u32 $0x7, v3  }
0x57: {  	v3 =	vor.u32 v3, v4  }
0x58: {  	v4 =	vperm.xlane v3, v0;
	_ =	sdelay $0x1  }
0x59: {  	v4 =	vadd.s32 v1, v4;
	_ =	sdelay $0x3  }
0x5a: {  	s0 =	rddreg [dreg:$0x11];
	v3 =	vperm.xlane v3, v2  }
0x5b: {  	[tilespmem:s0], [sflag:$0x1] =	stream.indirect_vreg.gather [hbm4b:s3+s2], $0x80, v4, vm0, $0xb8;
	[tilespmem:$0x18080] =	vst v63  }
0x5c: {  	s10 =	rddreg [dreg:$0x12];
	v3 =	vadd.s32 v1, v3  }
0x5d: {  	[tilespmem:s10], [sflag:$0x1] =	stream.indirect_vreg.gather [hbm4b:s4+s2], $0x80, v4, vm0, $0xb8;
	[tilespmem:$0x18080] =	vst v63  }
0x5e: {  	s0 =	rddreg [dreg:$0x13]  }
0x5f: {  	[tilespmem:s0], [sflag:$0x1] =	stream.indirect_vreg.gather [hbm4b:s5+s2], $0x80, v4, vm0, $0xb8;
	[tilespmem:$0x18080] =	vst v63  }
0x60: {  	s10 =	rddreg [dreg:$0x14]  }
0x61: {  	[tilespmem:s10], [sflag:$0x1] =	stream.indirect_vreg.gather [hbm4b:s3+s2], $0x80, v3, vm0, $0xb8;
	[tilespmem:$0x18080] =	vst v63  }
0x62: {  	s0 =	rddreg [dreg:$0x15]  }
0x63: {  	[tilespmem:s0], [sflag:$0x1] =	stream.indirect_vreg.gather [hbm4b:s4+s2], $0x80, v3, vm0, $0xb8;
	[tilespmem:$0x18080] =	vst v63  }
0x64: {  	s10 =	rddreg [dreg:$0x16]  }
0x65: {  	[tilespmem:s10], [sflag:$0x1] =	stream.indirect_vreg.gather [hbm4b:s5+s2], $0x80, v3, vm0, $0xb8;
	[tilespmem:$0x18080] =	vst v63  }
0x66: {  	v3 =	vld [tilespmem:$0x30];
	_ =	sdelay $0x4  }
0x67: {  	v59 =	vshrl.u32 v3, $0x3  }
0x68: {  	v4 =	vmul.u32 $0x30, v59  }
0x69: {  	v3 =	vand.u32 $0x7, v3  }
0x6a: {  	v3 =	vor.u32 v3, v4  }
0x6b: {  	v4 =	vperm.xlane v3, v0;
	_ =	sdelay $0x1  }
0x6c: {  	v4 =	vadd.s32 v1, v4;
	_ =	sdelay $0x3  }
0x6d: {  	s0 =	rddreg [dreg:$0x17];
	v3 =	vperm.xlane v3, v2  }
0x6e: {  	[tilespmem:s0], [sflag:$0x1] =	stream.indirect_vreg.gather [hbm4b:s3+s2], $0x80, v4, vm0, $0xb8;
	[tilespmem:$0x18080] =	vst v63  }
0x6f: {  	s10 =	rddreg [dreg:$0x18];
	v3 =	vadd.s32 v1, v3  }
0x70: {  	[tilespmem:s10], [sflag:$0x1] =	stream.indirect_vreg.gather [hbm4b:s4+s2], $0x80, v4, vm0, $0xb8;
	[tilespmem:$0x18080] =	vst v63  }
0x71: {  	s0 =	rddreg [dreg:$0x19]  }
0x72: {  	[tilespmem:s0], [sflag:$0x1] =	stream.indirect_vreg.gather [hbm4b:s5+s2], $0x80, v4, vm0, $0xb8;
	[tilespmem:$0x18080] =	vst v63  }
0x73: {  	s10 =	rddreg [dreg:$0x1a]  }
0x74: {  	[tilespmem:s10], [sflag:$0x1] =	stream.indirect_vreg.gather [hbm4b:s3+s2], $0x80, v3, vm0, $0xb8;
	[tilespmem:$0x18080] =	vst v63  }
0x75: {  	s0 =	rddreg [dreg:$0x1b]  }
0x76: {  	[tilespmem:s0], [sflag:$0x1] =	stream.indirect_vreg.gather [hbm4b:s4+s2], $0x80, v3, vm0, $0xb8;
	[tilespmem:$0x18080] =	vst v63  }
0x77: {  	s10 =	rddreg [dreg:$0x1c]  }
0x78: {  	[tilespmem:s10], [sflag:$0x1] =	stream.indirect_vreg.gather [hbm4b:s5+s2], $0x80, v3, vm0, $0xb8;
	[tilespmem:$0x18080] =	vst v63  }
0x79: {  	v3 =	vld [tilespmem:$0x40];
	_ =	sdelay $0x4  }
0x7a: {  	v60 =	vshrl.u32 v3, $0x3  }
0x7b: {  	v4 =	vmul.u32 $0x30, v60  }
0x7c: {  	v3 =	vand.u32 $0x7, v3  }
0x7d: {  	v3 =	vor.u32 v3, v4  }
0x7e: {  	v4 =	vperm.xlane v3, v0;
	_ =	sdelay $0x1  }
0x7f: {  	v4 =	vadd.s32 v1, v4;
	_ =	sdelay $0x3  }
0x80: {  	s0 =	rddreg [dreg:$0x1d];
	v3 =	vperm.xlane v3, v2  }
0x81: {  	[tilespmem:s9], [sflag:$0x2] =	stream.indirect_vreg.gather [hbm4b:s3+s2], $0x80, v4, vm0, $0xb8;
	[tilespmem:$0x18080] =	vst v63  }
0x82: {  	s10 =	rddreg [dreg:$0x1e];
	v3 =	vadd.s32 v1, v3  }
0x83: {  	[tilespmem:s0], [sflag:$0x2] =	stream.indirect_vreg.gather [hbm4b:s4+s2], $0x80, v4, vm0, $0xb8;
	[tilespmem:$0x18080] =	vst v63  }
0x84: {  	s0 =	rddreg [dreg:$0x1f]  }
0x85: {  	[tilespmem:s10], [sflag:$0x2] =	stream.indirect_vreg.gather [hbm4b:s5+s2], $0x80, v4, vm0, $0xb8;
	[tilespmem:$0x18080] =	vst v63  }
0x86: {  	s10 =	sld [smem:$0x7FC]  }
0x87: {  	[tilespmem:s0], [sflag:$0x2] =	stream.indirect_vreg.gather [hbm4b:s3+s2], $0x80, v3, vm0, $0xb8;
	[tilespmem:$0x18080] =	vst v63  }
0x88: {  	s0 =	sld [smem:$0x7FD]  }
0x89: {  	[tilespmem:s10], [sflag:$0x2] =	stream.indirect_vreg.gather [hbm4b:s4+s2], $0x80, v3, vm0, $0xb8;
	[tilespmem:$0x18080] =	vst v63  }
0x8a: {  	_ = 	snop  }
0x8b: {  	[tilespmem:s0], [sflag:$0x2] =	stream.indirect_vreg.gather [hbm4b:s5+s2], $0x80, v3, vm0, $0xb8;
	[tilespmem:$0x18080] =	vst v63  }
0x8c: {  	v3 =	vld [tilespmem:$0x50];
	_ =	sdelay $0x4  }
0x8d: {  	v61 =	vshrl.u32 v3, $0x3  }
0x8e: {  	v4 =	vmul.u32 $0x30, v61  }
0x8f: {  	v3 =	vand.u32 $0x7, v3  }
0x90: {  	v3 =	vor.u32 v3, v4  }
0x91: {  	v4 =	vperm.xlane v3, v0;
	_ =	sdelay $0x1  }
0x92: {  	v4 =	vadd.s32 v1, v4;
	_ =	sdelay $0x3  }
0x93: {  	s10 =	simm.s32 $0xF080;
	v3 =	vperm.xlane v3, v2  }
0x94: {  	[tilespmem:s10], [sflag:$0x2] =	stream.indirect_vreg.gather [hbm4b:s3+s2], $0x80, v4, vm0, $0xb8;
	[tilespmem:$0x18080] =	vst v63  }
0x95: {  	v3 =	vadd.s32 v1, v3  }
0x96: {  	[tilespmem:s11], [sflag:$0x2] =	stream.indirect_vreg.gather [hbm4b:s4+s2], $0x80, v4, vm0, $0xb8;
	[tilespmem:$0x18080] =	vst v63  }
0x97: {  	_ = 	snop  }
0x98: {  	[tilespmem:s12], [sflag:$0x2] =	stream.indirect_vreg.gather [hbm4b:s5+s2], $0x80, v4, vm0, $0xb8;
	[tilespmem:$0x18080] =	vst v63  }
0x99: {  	_ = 	snop  }
0x9a: {  	[tilespmem:s13], [sflag:$0x2] =	stream.indirect_vreg.gather [hbm4b:s3+s2], $0x80, v3, vm0, $0xb8;
	[tilespmem:$0x18080] =	vst v63  }
0x9b: {  	_ = 	snop  }
0x9c: {  	[tilespmem:s14], [sflag:$0x2] =	stream.indirect_vreg.gather [hbm4b:s4+s2], $0x80, v3, vm0, $0xb8;
	[tilespmem:$0x18080] =	vst v63  }
0x9d: {  	_ = 	snop  }
0x9e: {  	[tilespmem:s15], [sflag:$0x2] =	stream.indirect_vreg.gather [hbm4b:s5+s2], $0x80, v3, vm0, $0xb8;
	[tilespmem:$0x18080] =	vst v63  }
0x9f: {  	v3 =	vld [tilespmem:$0x60];
	_ =	sdelay $0x4  }
0xa0: {  	v62 =	vshrl.u32 v3, $0x3  }
0xa1: {  	v4 =	vmul.u32 $0x30, v62  }
0xa2: {  	v3 =	vand.u32 $0x7, v3  }
0xa3: {  	v3 =	vor.u32 v3, v4  }
0xa4: {  	v4 =	vperm.xlane v3, v0;
	_ =	sdelay $0x1  }
0xa5: {  	v4 =	vadd.s32 v1, v4;
	_ =	sdelay $0x3  }
0xa6: {  	v3 =	vperm.xlane v3, v2  }
0xa7: {  	[tilespmem:s16], [sflag:$0x2] =	stream.indirect_vreg.gather [hbm4b:s3+s2], $0x80, v4, vm0, $0xb8;
	[tilespmem:$0x18080] =	vst v63  }
0xa8: {  	v3 =	vadd.s32 v1, v3  }
0xa9: {  	[tilespmem:s17], [sflag:$0x2] =	stream.indirect_vreg.gather [hbm4b:s4+s2], $0x80, v4, vm0, $0xb8;
	[tilespmem:$0x18080] =	vst v63  }
0xaa: {  	_ = 	snop  }
0xab: {  	[tilespmem:s18], [sflag:$0x2] =	stream.indirect_vreg.gather [hbm4b:s5+s2], $0x80, v4, vm0, $0xb8;
	[tilespmem:$0x18080] =	vst v63  }
0xac: {  	_ = 	snop  }
0xad: {  	[tilespmem:s19], [sflag:$0x2] =	stream.indirect_vreg.gather [hbm4b:s3+s2], $0x80, v3, vm0, $0xb8;
	[tilespmem:$0x18080] =	vst v63  }
0xae: {  	_ = 	snop  }
0xaf: {  	[tilespmem:s20], [sflag:$0x2] =	stream.indirect_vreg.gather [hbm4b:s4+s2], $0x80, v3, vm0, $0xb8;
	[tilespmem:$0x18080] =	vst v63  }
0xb0: {  	_ = 	snop  }
0xb1: {  	[tilespmem:s21], [sflag:$0x2] =	stream.indirect_vreg.gather [hbm4b:s5+s2], $0x80, v3, vm0, $0xb8;
	[tilespmem:$0x18080] =	vst v63  }
0xb2: {  	v3 =	vld [tilespmem:$0x70];
	_ =	sdelay $0x4  }
0xb3: {  	v63 =	vshrl.u32 v3, $0x3  }
0xb4: {  	v4 =	vmul.u32 $0x30, v63  }
0xb5: {  	v3 =	vand.u32 $0x7, v3  }
0xb6: {  	v3 =	vor.u32 v3, v4  }
0xb7: {  	v4 =	vperm.xlane v3, v0;
	_ =	sdelay $0x1  }
0xb8: {  	v4 =	vadd.s32 v1, v4;
	_ =	sdelay $0x3  }
0xb9: {  	v3 =	vperm.xlane v3, v2  }
0xba: {  	[tilespmem:s22], [sflag:$0x2] =	stream.indirect_vreg.gather [hbm4b:s3+s2], $0x80, v4, vm0, $0xb8;
	[tilespmem:$0x18080] =	vst v63  }
0xbb: {  	v3 =	vadd.s32 v1, v3  }
0xbc: {  	[tilespmem:s23], [sflag:$0x2] =	stream.indirect_vreg.gather [hbm4b:s4+s2], $0x80, v4, vm0, $0xb8;
	[tilespmem:$0x18080] =	vst v63  }
0xbd: {  	_ = 	snop  }
0xbe: {  	[tilespmem:s24], [sflag:$0x2] =	stream.indirect_vreg.gather [hbm4b:s5+s2], $0x80, v4, vm0, $0xb8;
	[tilespmem:$0x18080] =	vst v63  }
0xbf: {  	_ = 	snop  }
0xc0: {  	[tilespmem:s25], [sflag:$0x2] =	stream.indirect_vreg.gather [hbm4b:s3+s2], $0x80, v3, vm0, $0xb8;
	[tilespmem:$0x18080] =	vst v63  }
0xc1: {  	_ = 	snop  }
0xc2: {  	[tilespmem:s26], [sflag:$0x2] =	stream.indirect_vreg.gather [hbm4b:s4+s2], $0x80, v3, vm0, $0xb8;
	[tilespmem:$0x18080] =	vst v63  }
0xc3: {  	_ = 	snop  }
0xc4: {  	[tilespmem:s28], [sflag:$0x2] =	stream.indirect_vreg.gather [hbm4b:s5+s2], $0x80, v3, vm0, $0xb8;
	[tilespmem:$0x18080] =	vst v63  }
0xc5: {  	_ =	swait.ge [sflag:s29], $0xC000  }
0xc6: {  	[sflag:s29] =	ssyncset.done $0x0  }
0xc7: {  	s10 =	rddreg [dreg:$0x4];
	[sflag:s29] =	ssyncadd.s32 $0xFFFF4000  }
0xc8: {  	[hbm4b:s10+s2] =	stream.linear.scatter [tilespmem:s8], [sflag:$0x3], $0xC000, $0x38;
	[tilespmem:$0x18080] =	vst v63  }
0xc9: {  	_ =	swait.ge [sflag:s30], $0xC000  }
0xca: {  	[sflag:s30] =	ssyncset.done $0x0  }
0xcb: {  	s10 =	rddreg [dreg:$0x5];
	[sflag:s30] =	ssyncadd.s32 $0xFFFF4000  }
0xcc: {  	[hbm4b:s10+s2] =	stream.linear.scatter [tilespmem:s9], [sflag:$0x4], $0xC000, $0x38;
	[tilespmem:$0x18080] =	vst v63  }
0xcd: {  	p0 =	sne.s32 s6, $0x1;
	_ =	swait.ge [sflag:s31], $0xC000  }
.Ltmp0:
0xce: {  	[sflag:s31] =	ssyncset.done $0x0;
	(pc) =	sbr.rel @p0 .LBB2_1-.Ltmp0, $4  }
0xcf: {  	[sflag:s31] =	ssyncadd.s32 $0xFFFF4000  }
0xd0: {  	_ =	swait.ge [sflag:s1], $0xC000  }
0xd1: {  	[sflag:s1] =	ssyncset.done $0x0  }
0xd2: {  	s6 =	sadd.s32 $0xFFFFFFFF, s6;
	[sflag:s1] =	ssyncadd.s32 $0xFFFF4000  }
0xd3: {  	_ =	sfence.sel $0x180000  }
0xd4: {  	[bflag:$0x0] =	sbarrier.arrive $0xFFFF  }
0xd5: {  	_ =	strace $0x9000004A  }
0xd6: {  	s0 =	stileid.u32;
	[bflag:$0x2] =	sbarrier.arrive $0xFFFF  }
0xd7: {  	p0 =	sne.s32 s0, $0x0;
	s0 =	rddreg [dreg:$0x2]  }
0xd8: {  	s0 =	sadd.s32 @!p0 $0x100000, s0  }
0xd9: {  	[sflag:s0] =	ssyncadd.tile.s32 @!p0 $0x1;
	_ =	shalt  }
.Lfunc_end2:
_tile_overlayer_lowered:
.L_overlay_start_2:
0xda: {  	(tag) =	ssettag $0x2  }
0xdb: {  	s0 =	rddreg [dreg:$0x0];
	s2 =	stileid.u32  }
0xdc: {  	s1 =	rddreg [dreg:$0x1];
	p0 =	sne.s32 s2, $0x0  }
0xdd: {  	s3 =	rddreg [dreg:$0x2];
	[bflag:$0x3] =	sbarrier.arrive $0xFFFF;
	s2 =	simm.s32 @!p0 $0x1C05  }
0xde: {  	[timem:s3], [sflag:s2] =	dma.local @!p0 [hbm:s0], s1  }
0xdf: {  	s0 =	simm.s32 @!p0 $0x5  }
0xe0: {  	_ =	swait.ge @!p0 [sflag:s0], s1  }
0xe1: {  	s1 =	ssub.s32 @!p0 $0x0, s1;
	[sflag:s0] =	ssyncset.done @!p0 $0x0  }
0xe2: {  	[sflag:s0] =	ssyncadd.s32 @!p0 s1  }
0xe3: {  	[bflag:$0x3] =	sbarrier.arrive $0xFFFF  }
0xe4: {  	_ =	shalt  }

</sc_bundles>
